<compile_context>
chip_gen: v7x
topology: tpu7x:2x2x1
jax: 0.10.2.dev20260603
libtpu: 0.0.44.dev20260713+nightly
codegen_flags: <defaults>
</compile_context>

<pallas_src>
import functools

import jax
import jax.numpy as jnp
from jax import lax
from jax.experimental import pallas as pl
from jax.experimental.pallas import tpu as pltpu
from jax.experimental.pallas import tpu_sc as plsc

N = 2048
KNN = 20
F = 64
NEG_BIG = -1e30



def _knn_body(x_ref, xt_ref, idx_ref, *, blk, n, k):
    b = pl.program_id(0)
    xb = x_ref[0]
    xt = xt_ref[0]
    inner = jnp.dot(xb.astype(jnp.bfloat16), xt.astype(jnp.bfloat16),
                    preferred_element_type=jnp.float32)
    sq_row = jnp.sum(xt * xt, axis=0, keepdims=True)
    sq_i = jnp.sum(xb * xb, axis=1, keepdims=True)
    neg = -(sq_i - 2.0 * inner + sq_row)
    lane = lax.broadcasted_iota(jnp.int32, (blk, n), 1)
    cols = []
    for _ in range(k):
        j = jnp.argmax(neg, axis=1).astype(jnp.int32)[:, None]
        cols.append(j)
        neg = jnp.where(lane == j, NEG_BIG, neg)
    idx_ref[0] = jnp.concatenate(cols, axis=1) + b * n


def _knn_topk(x):
    bb, n, c = x.shape
    blk = 512
    xt = jnp.swapaxes(x, 1, 2)
    return pl.pallas_call(
        functools.partial(_knn_body, blk=blk, n=n, k=KNN),
        grid=(bb, n // blk),
        in_specs=[
            pl.BlockSpec((1, blk, c), lambda b, i: (b, i, 0)),
            pl.BlockSpec((1, c, n), lambda b, i: (b, 0, 0)),
        ],
        out_specs=pl.BlockSpec((1, blk, KNN), lambda b, i: (b, i, 0)),
        out_shape=jax.ShapeDtypeStruct((bb, n, KNN), jnp.int32),
    )(x, xt)



_CHUNK = 128


def _sc_gather(table, idx):
    m = idx.shape[0]
    width = table.shape[1]
    nw = 32
    rows_per_w = m // nw
    n_chunks = rows_per_w // _CHUNK
    mesh = plsc.VectorSubcoreMesh(core_axis_name="c", subcore_axis_name="s")

    def body(table_hbm, idx_hbm, out_hbm, idx_v, rows_v, sem):
        wid = lax.axis_index("s") * 2 + lax.axis_index("c")
        base = wid * rows_per_w

        def step(ci, carry):
            off = base + ci * _CHUNK
            pltpu.sync_copy(idx_hbm.at[pl.ds(off, _CHUNK)], idx_v)
            pltpu.async_copy(table_hbm.at[idx_v], rows_v, sem).wait()
            pltpu.sync_copy(rows_v, out_hbm.at[pl.ds(off, _CHUNK)])
            return carry

        lax.fori_loop(0, n_chunks, step, 0, unroll=False)

    call = pl.kernel(
        body,
        out_type=jax.ShapeDtypeStruct((m, width), jnp.float32),
        mesh=mesh,
        scratch_types=[
            pltpu.VMEM((_CHUNK,), jnp.int32),
            pltpu.VMEM((_CHUNK, width), jnp.float32),
            pltpu.SemaphoreType.DMA,
        ],
    )
    return call(table, idx)



def _bf16_dot(x, w):
    return jnp.dot(x.astype(jnp.bfloat16), w.astype(jnp.bfloat16),
                   preferred_element_type=jnp.float32)


def _edge_mlp_body(f_ref, g_ref, w1_ref, b1_ref, o_ref, *, c, w2_ref=None,
                   b2_ref=None):
    center = f_ref[0]
    acc = None
    for k in range(KNN):
        nbr = g_ref[k, 0][:, :c]
        cat = jnp.concatenate([center, nbr - center], axis=1)
        h = jnp.maximum(_bf16_dot(cat, w1_ref[...]) + b1_ref[...], 0.0)
        if w2_ref is not None:
            h = jnp.maximum(_bf16_dot(h, w2_ref[...]) + b2_ref[...], 0.0)
        acc = h if acc is None else jnp.maximum(acc, h)
    o_ref[0] = acc


def _edge_tail(feat, g_t, w1, b1, w2=None, b2=None):
    bb, n, c = feat.shape
    f = w1.shape[1]
    blk = 512
    grid = (bb, n // blk)
    f_spec = pl.BlockSpec((1, blk, c), lambda b, i: (b, i, 0))
    g_spec = pl.BlockSpec((KNN, 1, blk, 128), lambda b, i: (0, b, i, 0))
    o_spec = pl.BlockSpec((1, blk, f), lambda b, i: (b, i, 0))
    out_shape = jax.ShapeDtypeStruct((bb, n, f), jnp.float32)
    w1_spec = pl.BlockSpec(w1.shape, lambda b, i: (0, 0))
    b1_spec = pl.BlockSpec((1, f), lambda b, i: (0, 0))
    if w2 is None:
        body = functools.partial(_edge_mlp_body, c=c)
        return pl.pallas_call(
            body, grid=grid,
            in_specs=[f_spec, g_spec, w1_spec, b1_spec],
            out_specs=o_spec, out_shape=out_shape,
        )(feat, g_t, w1, b1.reshape(1, f))

    def body2(f_ref, g_ref, w1_ref, b1_ref, w2_ref, b2_ref, o_ref):
        _edge_mlp_body(f_ref, g_ref, w1_ref, b1_ref, o_ref, c=c,
                       w2_ref=w2_ref, b2_ref=b2_ref)

    return pl.pallas_call(
        body2, grid=grid,
        in_specs=[f_spec, g_spec, w1_spec, b1_spec,
                  pl.BlockSpec((f, f), lambda b, i: (0, 0)),
                  pl.BlockSpec((1, f), lambda b, i: (0, 0))],
        out_specs=o_spec, out_shape=out_shape,
    )(feat, g_t, w1, b1.reshape(1, f), w2, b2.reshape(1, f))



def _glob_body(f1_ref, f2_ref, f3_ref, w_ref, b_ref, loc_ref, gmax_ref,
               gsum_ref):
    i = pl.program_id(1)
    cat = jnp.concatenate([f1_ref[0], f2_ref[0], f3_ref[0]], axis=1)
    loc = jnp.maximum(_bf16_dot(cat, w_ref[...]) + b_ref[...], 0.0)
    loc_ref[0] = loc
    pmax = jnp.max(loc, axis=0, keepdims=True)
    psum = jnp.sum(loc, axis=0, keepdims=True)

    @pl.when(i == 0)
    def _():
        gmax_ref[0] = pmax
        gsum_ref[0] = psum

    @pl.when(i != 0)
    def _():
        gmax_ref[0] = jnp.maximum(gmax_ref[0], pmax)
        gsum_ref[0] = gsum_ref[0] + psum


def _global_feats(f1, f2, f3, w41, b41):
    bb, n, f = f1.shape
    blk = 512
    co = w41.shape[1]
    f_spec = pl.BlockSpec((1, blk, f), lambda b, i: (b, i, 0))
    loc, gmax, gsum = pl.pallas_call(
        _glob_body,
        grid=(bb, n // blk),
        in_specs=[f_spec, f_spec, f_spec,
                  pl.BlockSpec((3 * f, co), lambda b, i: (0, 0)),
                  pl.BlockSpec((1, co), lambda b, i: (0, 0))],
        out_specs=[pl.BlockSpec((1, blk, co), lambda b, i: (b, i, 0)),
                   pl.BlockSpec((1, 1, co), lambda b, i: (b, 0, 0)),
                   pl.BlockSpec((1, 1, co), lambda b, i: (b, 0, 0))],
        out_shape=[jax.ShapeDtypeStruct((bb, n, co), jnp.float32),
                   jax.ShapeDtypeStruct((bb, 1, co), jnp.float32),
                   jax.ShapeDtypeStruct((bb, 1, co), jnp.float32)],
    )(f1, f2, f3, w41, b41.reshape(1, co))
    return loc, gmax.reshape(bb, co), gsum.reshape(bb, co) * (1.0 / n)



def _dense_body(x_ref, w_ref, b_ref, o_ref, *, leaky):
    h = _bf16_dot(x_ref[...], w_ref[...]) + b_ref[...]
    if leaky:
        h = jnp.where(h > 0.0, h, 0.2 * h)
    o_ref[...] = h


def _dense(x, w, bias, leaky):
    rows, cin = x.shape
    cout = w.shape[1]
    blk = 512
    return pl.pallas_call(
        functools.partial(_dense_body, leaky=leaky),
        grid=(cout // blk,),
        in_specs=[pl.BlockSpec((rows, cin), lambda j: (0, 0)),
                  pl.BlockSpec((cin, blk), lambda j: (0, j)),
                  pl.BlockSpec((1, blk), lambda j: (0, j))],
        out_specs=pl.BlockSpec((rows, blk), lambda j: (0, j)),
        out_shape=jax.ShapeDtypeStruct((rows, cout), jnp.float32),
    )(x, w, bias.reshape(1, cout))



def _edge_conv(x_knn, feat, w1, b1, w2, b2):
    bb, n, c = feat.shape
    idx = _knn_topk(x_knn)
    idx_t = jnp.swapaxes(jnp.swapaxes(idx, 0, 2), 1, 2)
    feat_pad = jnp.pad(feat, ((0, 0), (0, 0), (0, 128 - c)))
    gathered = _sc_gather(feat_pad.reshape(bb * n, 128), idx_t.reshape(-1))
    g_t = gathered.reshape(KNN, bb, n, 128)
    return _edge_tail(feat, g_t, w1, b1, w2, b2)


def _encode(x, w11, b11, w12, b12, w21, b21, w22, b22, w31, b31, w41, b41):
    x8 = jnp.pad(x, ((0, 0), (0, 0), (0, 5)))
    f1 = _edge_conv(x8, x, w11, b11, w12, b12)
    f2 = _edge_conv(f1, f1, w21, b21, w22, b22)
    f3 = _edge_conv(f2, f2, w31, b31, None, None)
    local, gmax, gavg = _global_feats(f1, f2, f3, w41, b41)
    glob = jnp.concatenate([gmax, gavg], axis=-1)
    return local, glob


def kernel(source, target, w11, b11, w12, b12, w21, b21, w22, b22, w31, b31,
           w41, b41, dw1, db1, dw2, db2, dw3, db3):
    enc_w = (w11, b11, w12, b12, w21, b21, w22, b22, w31, b31, w41, b41)
    local_x, glob_x = _encode(source, *enc_w)
    local_y, glob_y = _encode(target, *enc_w)

    glob = jnp.concatenate([glob_x, glob_y], axis=0)
    h = _dense(glob, dw1, db1, leaky=True)
    h = _dense(h, dw2, db2, leaky=True)
    rec = _dense(h, dw3, db3, leaky=False)
    rec = rec.reshape(-1, N, 3)

    half = rec.shape[0] // 2
    return ((rec[:half], rec[half:]),
            (local_x, local_y),
            (glob_x, glob_y))

# --- scband reference (transcript-rebuilt; emitter-appended) ---
"""Pipeline reference for scband-point-cloud-autoencoder-11862699672003 (READ-ONLY COPY).

The authoritative reference and input builder live on the scoring server;
editing this copy changes nothing except your own understanding.
"""

import jax, jax.numpy as jnp
import numpy as np

K = 20
B, N = 4, 2048


def _init_dense(key, fan_in, fan_out):
    lim = np.sqrt(6.0 / (fan_in + fan_out))
    w = jax.random.uniform(key, (fan_in, fan_out), minval=-lim, maxval=lim, dtype=jnp.float32)
    b = jnp.zeros((fan_out,), dtype=jnp.float32)
    return w, b


def setup_inputs(seed: int = 0) -> dict:
    key = jax.random.key(seed)
    ks = jax.random.split(key, 12)
    inp = {}
    inp['source'] = jax.random.normal(ks[0], (B, N, 3), dtype=jnp.float32)
    inp['target'] = jax.random.normal(ks[1], (B, N, 3), dtype=jnp.float32)
    inp['w11'], inp['b11'] = _init_dense(ks[2], 6, 64)
    inp['w12'], inp['b12'] = _init_dense(ks[3], 64, 64)
    inp['w21'], inp['b21'] = _init_dense(ks[4], 128, 64)
    inp['w22'], inp['b22'] = _init_dense(ks[5], 64, 64)
    inp['w31'], inp['b31'] = _init_dense(ks[6], 128, 64)
    inp['w41'], inp['b41'] = _init_dense(ks[7], 192, 1024)
    inp['dw1'], inp['db1'] = _init_dense(ks[8], 2048, 2048)
    inp['dw2'], inp['db2'] = _init_dense(ks[9], 2048, 1024)
    inp['dw3'], inp['db3'] = _init_dense(ks[10], 1024, N * 3)
    return inp


def _knn_idx(x, k):
    # x: (B, N, C) -> idx (B, N, k) of nearest neighbors (incl. self), DGCNN-style
    sq = jnp.sum(x * x, axis=-1)                      # (B, N)
    inner = jnp.einsum('bnc,bmc->bnm', x, x)          # (B, N, N)
    dist = sq[:, :, None] - 2.0 * inner + sq[:, None, :]
    _, idx = jax.lax.top_k(-dist, k)                  # (B, N, k)
    return idx


def _edge_conv(x, idx, layers):
    # x: (B, N, C), idx: (B, N, k)
    nbr = jax.vmap(lambda xb, ib: xb[ib])(x, idx)     # (B, N, k, C) gather
    center = jnp.broadcast_to(x[:, :, None, :], nbr.shape)
    h = jnp.concatenate([center, nbr - center], axis=-1)  # (B, N, k, 2C)
    for (w, b) in layers:
        h = jax.nn.relu(h @ w + b)
    return jnp.max(h, axis=2)                         # (B, N, units[-1])


def _encode(pc, w11, b11, w12, b12, w21, b21, w22, b22, w31, b31, w41, b41):
    idx1 = _knn_idx(pc, K)
    f1 = _edge_conv(pc, idx1, [(w11, b11), (w12, b12)])
    idx2 = _knn_idx(f1, K)
    f2 = _edge_conv(f1, idx2, [(w21, b21), (w22, b22)])
    idx3 = _knn_idx(f2, K)
    f3 = _edge_conv(f2, idx3, [(w31, b31)])
    cat = jnp.concatenate([f1, f2, f3], axis=-1)      # (B, N, 192)
    local = jax.nn.relu(cat @ w41 + b41)              # (B, N, 1024)
    gmax = jnp.max(local, axis=1)                     # (B, 1024)
    gavg = jnp.mean(local, axis=1)                    # (B, 1024)
    glob = jnp.concatenate([gmax, gavg], axis=-1)     # (B, 2048)
    return local, glob


def _decode(glob, dw1, db1, dw2, db2, dw3, db3):
    h = jax.nn.leaky_relu(glob @ dw1 + db1, negative_slope=0.2)
    h = jax.nn.leaky_relu(h @ dw2 + db2, negative_slope=0.2)
    rec = h @ dw3 + db3
    return rec.reshape(rec.shape[0], N, 3)


def reference(source, target, w11, b11, w12, b12, w21, b21, w22, b22, w31, b31,
              w41, b41, dw1, db1, dw2, db2, dw3, db3):
    local_x, glob_x = _encode(source, w11, b11, w12, b12, w21, b21, w22, b22, w31, b31, w41, b41)
    local_y, glob_y = _encode(target, w11, b11, w12, b12, w21, b21, w22, b22, w31, b31, w41, b41)
    x_rec = _decode(glob_x, dw1, db1, dw2, db2, dw3, db3)
    y_rec = _decode(glob_y, dw1, db1, dw2, db2, dw3, db3)
    return ((x_rec, y_rec), (local_x, local_y), (glob_x, glob_y))

if __name__ == "__main__":
    import jax
    _d = setup_inputs()
    print(jax.jit(kernel)(*tuple(_d.values())))

</pallas_src>

<mosaic_0001>
module attributes {stable_mosaic.version = 14 : i64} {
  func.func @_dense_body(%arg0: i32, %arg1: memref<8x2048xf32, #tpu.memory_space<vmem>>, %arg2: memref<2048x512xf32, #tpu.memory_space<vmem>>, %arg3: memref<1x512xf32, #tpu.memory_space<vmem>>, %arg4: memref<8x512xf32, #tpu.memory_space<vmem>>) attributes {dimension_semantics = [#tpu.dimension_semantics<arbitrary>], iteration_bounds = array<i64: 4>, scalar_prefetch = 0 : i64, scratch_operands = 0 : i64, tpu.core_type = #tpu.core_type<tc>, window_params = [{pipeline_mode = #tpu.pipeline_mode<synchronous>, transform_indices = @transform_0, window_bounds = array<i64: 8, 2048>}, {transform_indices = @transform_1, window_bounds = array<i64: 2048, 512>}, {transform_indices = @transform_2, window_bounds = array<i64: 1, 512>}, {transform_indices = @transform_3, window_bounds = array<i64: 8, 512>}]} {
    %get3A = arith.constant 0 : index
    %get3A_0 = arith.constant 0 : index
    %get3A_1 = vector.load %arg1[%get3A, %get3A_0] : memref<8x2048xf32, #tpu.memory_space<vmem>>, vector<8x2048xf32>
    %get3A_2 = arith.constant 0 : index
    %get3A_3 = arith.constant 0 : index
    %get3A_4 = vector.load %arg2[%get3A_2, %get3A_3] : memref<2048x512xf32, #tpu.memory_space<vmem>>, vector<2048x512xf32>
    %convert_element_type3A = arith.truncf %get3A_1 : vector<8x2048xf32> to vector<8x2048xbf16>
    %convert_element_type3A_5 = arith.truncf %get3A_4 : vector<2048x512xf32> to vector<2048x512xbf16>
    %dot_general3A = arith.constant dense<0.000000e+00> : vector<8x512xf32>
    %dot_general3A_6 = tpu.matmul %convert_element_type3A, %convert_element_type3A_5, %dot_general3A {dimension_numbers = #tpu.dot_dimension_numbers<[1], [0], [0], [1], [0, 0, 1, 1], [], []>, transpose_lhs_hint = false} : vector<8x2048xbf16>, vector<2048x512xbf16>, vector<8x512xf32> -> vector<8x512xf32>
    %get3A_7 = arith.constant 0 : index
    %get3A_8 = arith.constant 0 : index
    %get3A_9 = vector.load %arg3[%get3A_7, %get3A_8] : memref<1x512xf32, #tpu.memory_space<vmem>>, vector<1x512xf32>
    %add3A = vector.broadcast %get3A_9 : vector<1x512xf32> to vector<8x512xf32>
    %add3A_10 = arith.addf %dot_general3A_6, %add3A : vector<8x512xf32>
    %gt3A = arith.constant 0.000000e+00 : f32
    %gt3A_11 = vector.broadcast %gt3A : f32 to vector<8x512xf32>
    %gt3A_12 = arith.cmpf ogt, %add3A_10, %gt3A_11 : vector<8x512xf32>
    %mul3A = arith.constant 2.000000e-01 : f32
    %mul3A_13 = vector.broadcast %mul3A : f32 to vector<8x512xf32>
    %mul3A_14 = arith.mulf %mul3A_13, %add3A_10 : vector<8x512xf32>
    %select_n3A = arith.select %gt3A_12, %add3A_10, %mul3A_14 : vector<8x512xi1>, vector<8x512xf32>
    %swap3A = arith.constant 0 : index
    %swap3A_15 = arith.constant 0 : index
    %swap3A_16 = vector.load %arg4[%swap3A, %swap3A_15] : memref<8x512xf32, #tpu.memory_space<vmem>>, vector<8x512xf32>
    tpu.vector_store %arg4[%swap3A, %swap3A_15], %select_n3A {strides = array<i32>} : memref<8x512xf32, #tpu.memory_space<vmem>>, vector<8x512xf32>,
    return
  }
  func.func @transform_0(%arg0: i32) -> (i32, i32) {
    %c0_i32 = arith.constant 0 : i32
    %c0_i32_0 = arith.constant 0 : i32
    %c0_i32_1 = arith.constant 0 : i32
    return %c0_i32, %c0_i32_0 : i32, i32
  }
  func.func @transform_1(%arg0: i32) -> (i32, i32) {
    %c0_i32 = arith.constant 0 : i32
    %c0_i32_0 = arith.constant 0 : i32
    return %c0_i32, %arg0 : i32, i32
  }
  func.func @transform_2(%arg0: i32) -> (i32, i32) {
    %c0_i32 = arith.constant 0 : i32
    %c0_i32_0 = arith.constant 0 : i32
    return %c0_i32, %arg0 : i32, i32
  }
  func.func @transform_3(%arg0: i32) -> (i32, i32) {
    %c0_i32 = arith.constant 0 : i32
    %c0_i32_0 = arith.constant 0 : i32
    return %c0_i32, %arg0 : i32, i32
  }
}

module attributes {stable_mosaic.version = 14 : i64} {
  func.func @_dense_body(%arg0: i32, %arg1: memref<8x2048xf32, #tpu.memory_space<vmem>>, %arg2: memref<2048x512xf32, #tpu.memory_space<vmem>>, %arg3: memref<1x512xf32, #tpu.memory_space<vmem>>, %arg4: memref<8x512xf32, #tpu.memory_space<vmem>>) attributes {dimension_semantics = [#tpu.dimension_semantics<arbitrary>], iteration_bounds = array<i64: 2>, scalar_prefetch = 0 : i64, scratch_operands = 0 : i64, tpu.core_type = #tpu.core_type<tc>, window_params = [{pipeline_mode = #tpu.pipeline_mode<synchronous>, transform_indices = @transform_0, window_bounds = array<i64: 8, 2048>}, {transform_indices = @transform_1, window_bounds = array<i64: 2048, 512>}, {transform_indices = @transform_2, window_bounds = array<i64: 1, 512>}, {transform_indices = @transform_3, window_bounds = array<i64: 8, 512>}]} {
    %get3A = arith.constant 0 : index
    %get3A_0 = arith.constant 0 : index
    %get3A_1 = vector.load %arg1[%get3A, %get3A_0] : memref<8x2048xf32, #tpu.memory_space<vmem>>, vector<8x2048xf32>
    %get3A_2 = arith.constant 0 : index
    %get3A_3 = arith.constant 0 : index
    %get3A_4 = vector.load %arg2[%get3A_2, %get3A_3] : memref<2048x512xf32, #tpu.memory_space<vmem>>, vector<2048x512xf32>
    %convert_element_type3A = arith.truncf %get3A_1 : vector<8x2048xf32> to vector<8x2048xbf16>
    %convert_element_type3A_5 = arith.truncf %get3A_4 : vector<2048x512xf32> to vector<2048x512xbf16>
    %dot_general3A = arith.constant dense<0.000000e+00> : vector<8x512xf32>
    %dot_general3A_6 = tpu.matmul %convert_element_type3A, %convert_element_type3A_5, %dot_general3A {dimension_numbers = #tpu.dot_dimension_numbers<[1], [0], [0], [1], [0, 0, 1, 1], [], []>, transpose_lhs_hint = false} : vector<8x2048xbf16>, vector<2048x512xbf16>, vector<8x512xf32> -> vector<8x512xf32>
    %get3A_7 = arith.constant 0 : index
    %get3A_8 = arith.constant 0 : index
    %get3A_9 = vector.load %arg3[%get3A_7, %get3A_8] : memref<1x512xf32, #tpu.memory_space<vmem>>, vector<1x512xf32>
    %add3A = vector.broadcast %get3A_9 : vector<1x512xf32> to vector<8x512xf32>
    %add3A_10 = arith.addf %dot_general3A_6, %add3A : vector<8x512xf32>
    %gt3A = arith.constant 0.000000e+00 : f32
    %gt3A_11 = vector.broadcast %gt3A : f32 to vector<8x512xf32>
    %gt3A_12 = arith.cmpf ogt, %add3A_10, %gt3A_11 : vector<8x512xf32>
    %mul3A = arith.constant 2.000000e-01 : f32
    %mul3A_13 = vector.broadcast %mul3A : f32 to vector<8x512xf32>
    %mul3A_14 = arith.mulf %mul3A_13, %add3A_10 : vector<8x512xf32>
    %select_n3A = arith.select %gt3A_12, %add3A_10, %mul3A_14 : vector<8x512xi1>, vector<8x512xf32>
    %swap3A = arith.constant 0 : index
    %swap3A_15 = arith.constant 0 : index
    %swap3A_16 = vector.load %arg4[%swap3A, %swap3A_15] : memref<8x512xf32, #tpu.memory_space<vmem>>, vector<8x512xf32>
    tpu.vector_store %arg4[%swap3A, %swap3A_15], %select_n3A {strides = array<i32>} : memref<8x512xf32, #tpu.memory_space<vmem>>, vector<8x512xf32>,
    return
  }
  func.func @transform_0(%arg0: i32) -> (i32, i32) {
    %c0_i32 = arith.constant 0 : i32
    %c0_i32_0 = arith.constant 0 : i32
    %c0_i32_1 = arith.constant 0 : i32
    return %c0_i32, %c0_i32_0 : i32, i32
  }
  func.func @transform_1(%arg0: i32) -> (i32, i32) {
    %c0_i32 = arith.constant 0 : i32
    %c0_i32_0 = arith.constant 0 : i32
    return %c0_i32, %arg0 : i32, i32
  }
  func.func @transform_2(%arg0: i32) -> (i32, i32) {
    %c0_i32 = arith.constant 0 : i32
    %c0_i32_0 = arith.constant 0 : i32
    return %c0_i32, %arg0 : i32, i32
  }
  func.func @transform_3(%arg0: i32) -> (i32, i32) {
    %c0_i32 = arith.constant 0 : i32
    %c0_i32_0 = arith.constant 0 : i32
    return %c0_i32, %arg0 : i32, i32
  }
}

module attributes {stable_mosaic.version = 14 : i64} {
  func.func @_dense_body(%arg0: i32, %arg1: memref<8x1024xf32, #tpu.memory_space<vmem>>, %arg2: memref<1024x512xf32, #tpu.memory_space<vmem>>, %arg3: memref<1x512xf32, #tpu.memory_space<vmem>>, %arg4: memref<8x512xf32, #tpu.memory_space<vmem>>) attributes {dimension_semantics = [#tpu.dimension_semantics<arbitrary>], iteration_bounds = array<i64: 12>, scalar_prefetch = 0 : i64, scratch_operands = 0 : i64, tpu.core_type = #tpu.core_type<tc>, window_params = [{pipeline_mode = #tpu.pipeline_mode<synchronous>, transform_indices = @transform_0, window_bounds = array<i64: 8, 1024>}, {transform_indices = @transform_1, window_bounds = array<i64: 1024, 512>}, {transform_indices = @transform_2, window_bounds = array<i64: 1, 512>}, {transform_indices = @transform_3, window_bounds = array<i64: 8, 512>}]} {
    %get3A = arith.constant 0 : index
    %get3A_0 = arith.constant 0 : index
    %get3A_1 = vector.load %arg1[%get3A, %get3A_0] : memref<8x1024xf32, #tpu.memory_space<vmem>>, vector<8x1024xf32>
    %get3A_2 = arith.constant 0 : index
    %get3A_3 = arith.constant 0 : index
    %get3A_4 = vector.load %arg2[%get3A_2, %get3A_3] : memref<1024x512xf32, #tpu.memory_space<vmem>>, vector<1024x512xf32>
    %convert_element_type3A = arith.truncf %get3A_1 : vector<8x1024xf32> to vector<8x1024xbf16>
    %convert_element_type3A_5 = arith.truncf %get3A_4 : vector<1024x512xf32> to vector<1024x512xbf16>
    %dot_general3A = arith.constant dense<0.000000e+00> : vector<8x512xf32>
    %dot_general3A_6 = tpu.matmul %convert_element_type3A, %convert_element_type3A_5, %dot_general3A {dimension_numbers = #tpu.dot_dimension_numbers<[1], [0], [0], [1], [0, 0, 1, 1], [], []>, transpose_lhs_hint = false} : vector<8x1024xbf16>, vector<1024x512xbf16>, vector<8x512xf32> -> vector<8x512xf32>
    %get3A_7 = arith.constant 0 : index
    %get3A_8 = arith.constant 0 : index
    %get3A_9 = vector.load %arg3[%get3A_7, %get3A_8] : memref<1x512xf32, #tpu.memory_space<vmem>>, vector<1x512xf32>
    %add3A = vector.broadcast %get3A_9 : vector<1x512xf32> to vector<8x512xf32>
    %add3A_10 = arith.addf %dot_general3A_6, %add3A : vector<8x512xf32>
    %swap3A = arith.constant 0 : index
    %swap3A_11 = arith.constant 0 : index
    %swap3A_12 = vector.load %arg4[%swap3A, %swap3A_11] : memref<8x512xf32, #tpu.memory_space<vmem>>, vector<8x512xf32>
    tpu.vector_store %arg4[%swap3A, %swap3A_11], %add3A_10 {strides = array<i32>} : memref<8x512xf32, #tpu.memory_space<vmem>>, vector<8x512xf32>,
    return
  }
  func.func @transform_0(%arg0: i32) -> (i32, i32) {
    %c0_i32 = arith.constant 0 : i32
    %c0_i32_0 = arith.constant 0 : i32
    %c0_i32_1 = arith.constant 0 : i32
    return %c0_i32, %c0_i32_0 : i32, i32
  }
  func.func @transform_1(%arg0: i32) -> (i32, i32) {
    %c0_i32 = arith.constant 0 : i32
    %c0_i32_0 = arith.constant 0 : i32
    return %c0_i32, %arg0 : i32, i32
  }
  func.func @transform_2(%arg0: i32) -> (i32, i32) {
    %c0_i32 = arith.constant 0 : i32
    %c0_i32_0 = arith.constant 0 : i32
    return %c0_i32, %arg0 : i32, i32
  }
  func.func @transform_3(%arg0: i32) -> (i32, i32) {
    %c0_i32 = arith.constant 0 : i32
    %c0_i32_0 = arith.constant 0 : i32
    return %c0_i32, %arg0 : i32, i32
  }
}

</mosaic_0001>

<sc_bundles>
// kernel: sparse-core-data-format-call.1.cloned.1.call-start
scs
called_computation.1_lowered:
.L_overlay_start_0:
0x0: {  	s1 =	sld [smem:$0x3FD9]  }
0x1: {  	s2 =	sld [smem:$0x3FFE];
	_ =	sdelay $0x1  }
0x2: {  	s3 =	srdreg.scid  }
0x3: {  	s0 =	sand.u32 $0x1, s3  }
0x4: {  	s17 =	sshll.u32 s0, $0xA;
	s1 =	sadd.s32 s2, s1  }
0x5: {  	s1 =	sadd.s32 s1, s17  }
0x6: {  	[smem:$0x3FB4] =	sst s1  }
0x7: {  	_ = 	snop  }
0x8: {  	(tm) =	ssettm $0x1  }
0x9: {  	s18 =	sld [smem:$0x3FFB];
	_ =	sdelay $0x3  }
0xa: {  	_ =	strace s18  }
0xb: {  	s1 =	sld [smem:$0x3FFC];
	_ =	sdelay $0x3  }
0xc: {  	_ =	strace s1  }
0xd: {  	s1 =	sld [smem:$0x3FFD];
	_ =	sdelay $0x3  }
0xe: {  	_ =	strace s1  }
0xf: {  	_ =	strace $0x8FFFFFFF  }
0x10: {  	s19 =	sld [smem:$0x3FDB];
	_ =	sdelay $0x1  }
0x11: {  	s20 =	simm.s32 $_scs_section_size  }
0x12: {  	s4 =	simm.s32 $_size__tile_overlayer_lowered;
	s5 =	simm.s32 $_tile_overlayer_lowered  }
0x13: {  	s23 =	simm.s32 $0x1BFF;
	s22 =	sshll.u32 s5, $0x1;
	s1 =	sadd.s32 s20, s19  }
0x14: {  	s6 =	simm.s32 $0x0;
	s21 =	sshll.u32 s4, $0x1;
	s4 =	sadd.s32 s22, s1  }
0x15: {  	[timem:s6], [sflag:s23] =	dma.local [hbm:s4], s21  }
0x16: {  	_ =	swait.ge [sflag:s23], s21  }
0x17: {  	s2 =	ssub.s32 $0x0, s21;
	[sflag:s23] =	ssyncset.done $0x0  }
0x18: {  	[sflag:s23] =	ssyncadd.s32 s2;
	_ =	sdelay $0x1  }
0x19: {  	s24 =	simm.s32 $0x1B8B  }
0x1a: {  	_ =	swait.ge [sflag:s24], $0x1  }
0x1b: {  	[sflag:s24] =	ssyncset.done $0x0  }
0x1c: {  	s26 =	simm.s32 $0x1B8E;
	s25 =	sld [smem:$0x3FFE];
	[sflag:s24] =	ssyncadd.s32 $0xFFFFFFFF  }
0x1d: {  	s27 =	simm.s32 $execute0_lowered;
	[smem:$0x3FD2] =	sst s26  }
0x1e: {  	s4 =	sshll.u32 s27, $0x1;
	_ =	strace $0x8000004C;
	[dreg:$0x1] =	wrdreg $0xFFFFFFFF  }
0x1f: {  	s28 =	simm.s32 $_size_execute0_lowered;
	s1 =	sadd.s32 s1, s4;
	[dreg:$0x0] =	wrdreg $0x0  }
0x20: {  	s4 =	sshll.u32 s28, $0x1;
	[dreg:$0x2] =	wrdreg s1  }
0x21: {  	[dreg:$0x3] =	wrdreg s4  }
0x22: {  	[dreg:$0x4] =	wrdreg $0xC0  }
0x23: {  	_ =	task [dreg:s6], $0x5FFFF  }
0x24: {  	[dreg:$0x1] =	wrdreg $0xFFFFFFFF  }
0x25: {  	[dreg:$0x0] =	wrdreg $0x60  }
0x26: {  	[dreg:$0x2] =	wrdreg s25  }
0x27: {  	[dreg:$0x3] =	wrdreg $0x9  }
0x28: {  	_ =	task.clear_ibuf [dreg:s6], $0x4FFFF;
	_ =	strace $0x9000004C  }
0x29: {  	s29 =	simm.s32 $0x9;
	_ =	strace $0x8000004E  }
0x2a: {  	_ =	swait.ge [sflag:s29], $0x1  }
0x2b: {  	[sflag:s29] =	ssyncadd.s32 $0xFFFFFFFF  }
0x2c: {  	_ =	strace $0x9000004E  }
0x2d: {  	_ =	sfence  }
0x2e: {  	s30 =	sld [smem:$0x0];
	_ =	sdelay $0x2  }
0x2f: {  	s31 =	sshll.u32 s3, $0xD;
	s3 =	sshrl.u32 s3, $0x2  }
0x30: {  	s2 =	sand.u32 $0x4000, s31;
	s1 =	sadd.s32 s3, s30  }
0x31: {  	s0 =	sor.u32 s2, s0;
	s1 =	sshll.u32 s1, $0x11  }
0x32: {  	s0 =	sor.u32 s1, s0  }
0x33: {  	s0 =	sadd.s32 $0x8F2B, s0  }
0x34: {  	[sflag:s0] =	ssyncadd.remote.s32 $0x1  }
0x35: {  	_ =	sfence.sel $0xFFFF  }
0x36: {  	[dreg:$0x0] =	wrdreg $0xFFFFFFFF;
	(pc) =	sbr.abs _section_cstart, $3  }
0x37: {  	[dreg:$0x1] =	wrdreg $0xFFFFFFFF  }
0x38: {  	_ =	task.clear_ibuf [dreg:s6], $0x2FFFF;
	_ =	strace $0x9FFFFFFF  }
0x39: {  	(tm) =	ssettm $0x7FFFFFFF  }
tec
execute0_lowered:
.L_overlay_start_1:
0x0: {  	(tag) =	ssettag $0x1  }
0x1: {  	s0 =	stileid.u32;
	s1 =	srdreg.scid  }
0x2: {  	s4 =	rddreg [dreg:$0x0];
	s7 =	simm.s32 $0x1;
	s31 =	simm.s32 $0x2  }
0x3: {  	s16 =	simm.s32 $0x0;
	s2 =	sshll.u32 s0, $0x5;
	s1 =	sshll.u32 s1, $0x9  }
0x4: {  	s9 =	simm.s32 $0x4000;
	s14 =	simm.s32 $0x0;
	s1 =	sor.u32 s2, s1  }
0x5: {  	s15 =	simm.s32 $0x0;
	s10 =	simm.s32 $0x0;
	s2 =	sand.u32 $0x380, s1  }
0x6: {  	s13 =	simm.s32 $0x0;
	s3 =	sadd.s32 $0x220000, s4;
	s5 =	ssub.s32 $0x800, s2  }
0x7: {  	s4 =	sadd.s32 $0x420000, s4;
	s1 =	rddreg [dreg:$0x1];
	s6 =	sand.u32 $0x380, s5  }
.Ltmp0:
0x8: {  	_ =	strace $0x8000004D;
	p0 =	sne.s32 s6, $0x0;
	(pc) =	sbr.rel .LBB1_1-.Ltmp0, $4  }
0x9: {  	s11 =	smov.u32 s2;
	s8 =	sshrl.u32 s5, $0xA;
	s7 =	simm.s32 @!p0 $0x0  }
0xa: {  	s5 =	sand.u32 $0x3, s0;
	s6 =	simm.s32 $0x1;
	s7 =	sadd.s32 s7, s8  }
0xb: {  	s12 =	smov.u32 s5;
	[sflag:s6] =	ssyncpa.u1 $0x0;
	s7 =	sshll.u32 s7, $0x4  }
0xc: {  	p0 =	por $0x0, $0x0;
	[sflag:s31] =	ssyncpa.u1 $0x0;
	s8 =	sor.u32 $0x1, s7  }
.LBB1_4:
0xd: {  	v5 =	vld [tilespmem:s19+$0xFFFFFFD0]  }
0xe: {  	[tilespmem:s20+$0x2040 ss:$0x81] =	vst.msk $0xffff, v1;
	v58 =	vld [tilespmem:s19+$0xFFFFFFE0]  }
0xf: {  	[tilespmem:s20+$0x2850 ss:$0x81] =	vst.msk $0xffff, v2;
	v59 =	vld [tilespmem:s19+$0xFFFFFFF0]  }
0x10: {  	s21 =	sshra.s32 s21, $0x2;
	[tilespmem:s20+$0x3060 ss:$0x81] =	vst.msk $0xffff, v3;
	v60 =	vld [tilespmem:s19+$0x0]  }
0x11: {  	[tilespmem:s20+$0x0 ss:$0x81] =	vst.msk $0xffff, v0;
	v61 =	vld [tilespmem:s19+$0x10];
	s18 =	sadd.s32 s21, s18  }
0x12: {  	s26 =	sshll.u32 s16, $0xB;
	v62 =	vld [tilespmem:s19+$0x20];
	[tilespmem:s18+$0x3870 ss:$0x81] =	vst.msk $0xffff, v4  }
0x13: {  	s27 =	sand.u32 $0x78, s14;
	s22 =	sshll.u32 s14, $0x3;
	v63 =	vld [tilespmem:s19+$0xFFFFFFC0];
	s29 =	sshll.u32 s16, $0x7;
	[tilespmem:s18+$0x810 ss:$0x81] =	vst.msk $0xffff, v5  }
0x14: {  	s15 =	sshll.u32 s15, $0x13;
	s20 =	sand.u32 $0x3FC000, s26;
	s28 =	sand.u32 $0x3FFC00, s22;
	[tilespmem:s18+$0x1020 ss:$0x81] =	vst.msk $0xffff, v58  }
0x15: {  	s31 =	sand.u32 $0x7, s14;
	s22 =	sand.u32 $0x400, s22;
	s19 =	sadd.s32 s28, s20;
	[tilespmem:s18+$0x1830 ss:$0x81] =	vst.msk $0xffff, v59  }
0x16: {  	s16 =	sand.u32 $0x380, s29;
	s30 =	sor.u32 s27, s22;
	s19 =	sshrl.u32 s19, $0x3;
	[tilespmem:s18+$0x2040 ss:$0x81] =	vst.msk $0xffff, v60  }
0x17: {  	s15 =	sadd.s32 s4, s15;
	s16 =	sor.u32 s16, s30;
	s19 =	sand.u32 $0x7FF00, s19;
	[tilespmem:s18+$0x2850 ss:$0x81] =	vst.msk $0xffff, v61  }
0x18: {  	s14 =	sshll.u32 s31, $0x12;
	s16 =	sshrl.u32 s16, $0x3;
	[tilespmem:s18+$0x3060 ss:$0x81] =	vst.msk $0xffff, v62;
	s15 =	sadd.s32 s19, s15  }
0x19: {  	s14 =	sor.u32 $0x400, s14;
	[tilespmem:s18+$0x0 ss:$0x81] =	vst.msk $0xffff, v63;
	s15 =	sadd.s32 s16, s15  }
0x1a: {  	[hbm4b:s15+s14] =	stream.strided.scatter [tilespmem:s17], [sflag:$0x2], $0x4000, s9, s14, $0x20;
	[tilespmem:$0x10100] =	vst v63  }
.LBB1_5:
0x1b: {  	s17 =	sadd.s32 $0x80, s10  }
0x1c: {  	s14 =	sadd.s32 $0x400, s11;
	s18 =	smov.u32 s11;
	p2 =	sgt.s32 s17, $0x7FF  }
0x1d: {  	s18 =	smov.u32 @p2 s14  }
0x1e: {  	s20 =	smov.u32 s12;
	s14 =	sadd.s32 $0x4, s12;
	p3 =	sgt.s32 s18, $0x7FF  }
0x1f: {  	s20 =	smov.u32 @p3 s14  }
0x20: {  	s17 =	simm.s32 @p2 $0x0;
	p2 =	sgt.s32 s20, $0x3  }
0x21: {  	p1 =	slt.u32 s13, $0x2;
	s20 =	smov.u32 @p2 s5;
	p2 =	sne.s32 s13, s8  }
.Ltmp1:
0x22: {  	s19 =	simm.s32 @!p1 $0x2;
	(pc) =	sbr.rel @!p2 .LBB1_6-.Ltmp1, $4  }
0x23: {  	s16 =	smov.u32 s10;
	s15 =	smov.u32 s12;
	_ =	swait.ge @!p1 [sflag:s19], $0x4000  }
0x24: {  	p0 =	por !p0, !p0;
	[sflag:s19] =	ssyncset.done @!p1 $0x0;
	s10 =	smov.u32 s17  }
0x25: {  	s18 =	smov.u32 @p3 s2;
	s14 =	smov.u32 s11;
	[sflag:s19] =	ssyncadd.s32 @!p1 $0xFFFFC000  }
0x26: {  	s11 =	smov.u32 s18;
	s13 =	sadd.s32 $0x1, s13;
	s12 =	smov.u32 s20  }
.LBB1_1:
0x27: {  	p1 =	sge.u32 s13, s7;
	s31 =	sadd.s32 $0xFFFFFFFF, s13  }
0x28: {  	s17 =	sxor.u32 @!p1 $0xFFFFFFFF, s13;
	s18 =	sand.u32 @!p1 $0x78, s10;
	s19 =	sshll.u32 @!p1 s11, $0xB  }
0x29: {  	s20 =	sshll.u32 @!p1 s11, $0x7;
	s21 =	sshll.u32 @!p1 s10, $0x3;
	s17 =	sshll.u32 @!p1 s17, $0xE  }
0x2a: {  	s19 =	sand.u32 @!p1 $0x3FC000, s19;
	s20 =	sand.u32 @!p1 $0x380, s20;
	s17 =	sand.u32 @!p1 $0x4000, s17  }
0x2b: {  	s19 =	sadd.s32 @!p1 s19, s21;
	s21 =	sand.u32 @!p1 $0x400, s21;
	s18 =	sor.u32 @!p1 s20, s18  }
0x2c: {  	s20 =	sshll.u32 @!p1 s12, $0x13;
	s18 =	sor.u32 @!p1 s21, s18;
	s19 =	sshrl.u32 @!p1 s19, $0x3  }
0x2d: {  	s20 =	sadd.s32 @!p1 s3, s20;
	s21 =	sand.u32 @!p1 $0x7, s10;
	s19 =	sand.u32 @!p1 $0x7FF00, s19  }
0x2e: {  	s18 =	sshrl.u32 @!p1 s18, $0x3;
	s19 =	sadd.s32 @!p1 s19, s20;
	s20 =	sshll.u32 @!p1 s21, $0x12  }
0x2f: {  	s18 =	sadd.s32 @!p1 s18, s19;
	s19 =	sor.u32 @!p1 $0x400, s20;
	s20 =	simm.s32 @!p1 $0x4000  }
0x30: {  	[tilespmem:s17], [sflag:$0x1] =	stream.strided.gather @!p1 [hbm4b:s18+s19], $0x4000, s20, s19, $0x38;
	[tilespmem:$0x10100] =	vst v63  }
0x31: {  	p1 =	sge.u32 s31, s7  }
.Ltmp2:
0x32: {  	_ = 	snop;
	(pc) =	sbr.rel @p1 .LBB1_5-.Ltmp2, $1  }
0x33: {  	_ =	sdelay $0x3  }
0x34: {  	s17 =	simm.s32 $0x1  }
0x35: {  	_ =	swait.ge [sflag:s6], $0x4000;
	s17 =	simm.s32 @!p0 $0x0  }
0x36: {  	[sflag:s6] =	ssyncset.done $0x0;
	s18 =	sshll.u32 s17, $0xE  }
0x37: {  	[sflag:s6] =	ssyncadd.s32 $0xFFFFC000;
	s19 =	sor.u32 $0x40, s18  }
0x38: {  	s17 =	smul.u32 $0x10200, s17;
	v0 =	vld [tilespmem:s19+$0x30]  }
0x39: {  	v3 =	vld [tilespmem:s19+$0xFFFFFFD0]  }
0x3a: {  	s17 =	sshrl.u32 s17, $0x2;
	v4 =	vld [tilespmem:s19+$0xFFFFFFE0]  }
0x3b: {  	v5 =	vld [tilespmem:s19+$0xFFFFFFF0];
	s18 =	sor.u32 $0x8000, s17  }
0x3c: {  	s31 =	sand.u32 $0x1, s13;
	v1 =	vld [tilespmem:s19+$0x0];
	s20 =	sadd.s32 $0x0, s18  }
0x3d: {  	v2 =	vld [tilespmem:s19+$0x10];
	s17 =	smul.u32 $0x10200, s31;
	[tilespmem:s20+$0x3870 ss:$0x81] =	vst.msk $0xffff, v0  }
0x3e: {  	[tilespmem:s20+$0x810 ss:$0x81] =	vst.msk $0xffff, v3;
	v3 =	vld [tilespmem:s19+$0x20]  }
0x3f: {  	s17 =	sshrl.u32 s17, $0x2;
	v0 =	vld [tilespmem:s19+$0xFFFFFFC0];
	[tilespmem:s20+$0x1020 ss:$0x81] =	vst.msk $0xffff, v4;
	s19 =	sadd.s32 $0x80, s19  }
0x40: {  	s21 =	simm.s32 $0x4;
	s22 =	simm.s32 $0x8;
	s17 =	sor.u32 $0x8000, s17;
	[tilespmem:s20+$0x1830 ss:$0x81] =	vst.msk $0xffff, v5;
	v4 =	vld [tilespmem:s19+$0x30]  }
.LBB1_3:
0x41: {  	p1 =	sne.s32 s22, $0x1FC;
	v5 =	vld [tilespmem:s19+$0xFFFFFFD0];
	[tilespmem:s20+$0x2040 ss:$0x81] =	vst.msk $0xffff, v1  }
0x42: {  	v6 =	vld [tilespmem:s19+$0xFFFFFFE0];
	[tilespmem:s20+$0x2850 ss:$0x81] =	vst.msk $0xffff, v2  }
0x43: {  	s23 =	sshra.s32 s21, $0x2;
	s21 =	smov.u32 s22;
	v7 =	vld [tilespmem:s19+$0xFFFFFFF0];
	[tilespmem:s20+$0x3060 ss:$0x81] =	vst.msk $0xffff, v3  }
.Ltmp3:
0x44: {  	v1 =	vld [tilespmem:s19+$0x0];
	[tilespmem:s20+$0x0 ss:$0x81] =	vst.msk $0xffff, v0;
	s20 =	sadd.s32 s23, s18;
	(pc) =	sbr.rel @p1 .LBB1_3-.Ltmp3, $4  }
0x45: {  	v2 =	vld [tilespmem:s19+$0x10];
	[tilespmem:s20+$0x3870 ss:$0x81] =	vst.msk $0xffff, v4  }
0x46: {  	[tilespmem:s20+$0x810 ss:$0x81] =	vst.msk $0xffff, v5;
	v3 =	vld [tilespmem:s19+$0x20]  }
0x47: {  	v0 =	vld [tilespmem:s19+$0xFFFFFFC0];
	[tilespmem:s20+$0x1020 ss:$0x81] =	vst.msk $0xffff, v6;
	s19 =	sadd.s32 $0x80, s19  }
0x48: {  	s22 =	sadd.s32 $0x4, s22;
	v4 =	vld [tilespmem:s19+$0x30];
	[tilespmem:s20+$0x1830 ss:$0x81] =	vst.msk $0xffff, v7  }
.Ltmp4:
0x49: {  	_ = 	snop;
	(pc) =	sbr.rel .LBB1_4-.Ltmp4, $1  }
0x4a: {  	_ =	sdelay $0x3  }
.LBB1_6:
0x4b: {  	_ =	sfence.sel $0x180000  }
0x4c: {  	s2 =	simm.s32 $0x1;
	[bflag:$0x0] =	sbarrier.arrive $0xFFFF  }
0x4d: {  	s31 =	simm.s32 $0x2;
	[sflag:s2] =	ssyncpa.u1 $0x1  }
0x4e: {  	[sflag:s31] =	ssyncpa.u1 $0x1  }
0x4f: {  	p0 =	sne.s32 s0, $0x0;
	_ =	strace $0x9000004D  }
0x50: {  	s0 =	sadd.s32 @!p0 $0x100000, s1;
	[bflag:$0x2] =	sbarrier.arrive $0xFFFF  }
0x51: {  	[sflag:s0] =	ssyncadd.tile.s32 @!p0 $0x1;
	_ =	shalt  }
.Lfunc_end1:
_tile_overlayer_lowered:
.L_overlay_start_2:
0x52: {  	(tag) =	ssettag $0x2  }
0x53: {  	s0 =	rddreg [dreg:$0x0];
	s2 =	stileid.u32  }
0x54: {  	s1 =	rddreg [dreg:$0x1];
	p0 =	sne.s32 s2, $0x0  }
0x55: {  	s3 =	rddreg [dreg:$0x2];
	[bflag:$0x3] =	sbarrier.arrive $0xFFFF;
	s2 =	simm.s32 @!p0 $0x1C01  }
0x56: {  	[timem:s3], [sflag:s2] =	dma.local @!p0 [hbm:s0], s1  }
0x57: {  	s0 =	simm.s32 @!p0 $0x1  }
0x58: {  	_ =	swait.ge @!p0 [sflag:s0], s1  }
0x59: {  	s1 =	ssub.s32 @!p0 $0x0, s1;
	[sflag:s0] =	ssyncset.done @!p0 $0x0  }
0x5a: {  	[sflag:s0] =	ssyncadd.s32 @!p0 s1  }
0x5b: {  	[bflag:$0x3] =	sbarrier.arrive $0xFFFF  }
0x5c: {  	_ =	shalt  }

// kernel: sparse-core-data-format-call.2.cloned.1.call-start
scs
called_computation.2_lowered:
.L_overlay_start_0:
0x0: {  	s1 =	sld [smem:$0x3FD9]  }
0x1: {  	s2 =	sld [smem:$0x3FFE];
	_ =	sdelay $0x1  }
0x2: {  	s3 =	srdreg.scid  }
0x3: {  	s0 =	sand.u32 $0x1, s3  }
0x4: {  	s17 =	sshll.u32 s0, $0xA;
	s1 =	sadd.s32 s2, s1  }
0x5: {  	s1 =	sadd.s32 s1, s17  }
0x6: {  	[smem:$0x3FB4] =	sst s1  }
0x7: {  	_ = 	snop  }
0x8: {  	(tm) =	ssettm $0x1  }
0x9: {  	s18 =	sld [smem:$0x3FFB];
	_ =	sdelay $0x3  }
0xa: {  	_ =	strace s18  }
0xb: {  	s1 =	sld [smem:$0x3FFC];
	_ =	sdelay $0x3  }
0xc: {  	_ =	strace s1  }
0xd: {  	s1 =	sld [smem:$0x3FFD];
	_ =	sdelay $0x3  }
0xe: {  	_ =	strace s1  }
0xf: {  	_ =	strace $0x8FFFFFFF  }
0x10: {  	s19 =	sld [smem:$0x3FDB];
	_ =	sdelay $0x1  }
0x11: {  	s20 =	simm.s32 $_scs_section_size  }
0x12: {  	s4 =	simm.s32 $_size__tile_overlayer_lowered;
	s5 =	simm.s32 $_tile_overlayer_lowered  }
0x13: {  	s23 =	simm.s32 $0x1BFF;
	s22 =	sshll.u32 s5, $0x1;
	s1 =	sadd.s32 s20, s19  }
0x14: {  	s6 =	simm.s32 $0x0;
	s21 =	sshll.u32 s4, $0x1;
	s4 =	sadd.s32 s22, s1  }
0x15: {  	[timem:s6], [sflag:s23] =	dma.local [hbm:s4], s21  }
0x16: {  	_ =	swait.ge [sflag:s23], s21  }
0x17: {  	s2 =	ssub.s32 $0x0, s21;
	[sflag:s23] =	ssyncset.done $0x0  }
0x18: {  	[sflag:s23] =	ssyncadd.s32 s2;
	_ =	sdelay $0x1  }
0x19: {  	s24 =	simm.s32 $0x1B8B  }
0x1a: {  	_ =	swait.ge [sflag:s24], $0x1  }
0x1b: {  	[sflag:s24] =	ssyncset.done $0x0  }
0x1c: {  	s26 =	simm.s32 $0x1B8E;
	s25 =	sld [smem:$0x3FFE];
	[sflag:s24] =	ssyncadd.s32 $0xFFFFFFFF  }
0x1d: {  	s27 =	simm.s32 $execute0_lowered;
	[smem:$0x3FD2] =	sst s26  }
0x1e: {  	s4 =	sshll.u32 s27, $0x1;
	_ =	strace $0x80000046;
	[dreg:$0x1] =	wrdreg $0xFFFFFFFF  }
0x1f: {  	s28 =	simm.s32 $_size_execute0_lowered;
	s1 =	sadd.s32 s1, s4;
	[dreg:$0x0] =	wrdreg $0x0  }
0x20: {  	s4 =	sshll.u32 s28, $0x1;
	[dreg:$0x2] =	wrdreg s1  }
0x21: {  	[dreg:$0x3] =	wrdreg s4  }
0x22: {  	[dreg:$0x4] =	wrdreg $0xC0  }
0x23: {  	_ =	task [dreg:s6], $0x5FFFF  }
0x24: {  	[dreg:$0x1] =	wrdreg $0xFFFFFFFF  }
0x25: {  	[dreg:$0x0] =	wrdreg $0x60  }
0x26: {  	[dreg:$0x2] =	wrdreg s25  }
0x27: {  	[dreg:$0x3] =	wrdreg $0x9  }
0x28: {  	_ =	task.clear_ibuf [dreg:s6], $0x4FFFF;
	_ =	strace $0x90000046  }
0x29: {  	s29 =	simm.s32 $0x9;
	_ =	strace $0x80000048  }
0x2a: {  	_ =	swait.ge [sflag:s29], $0x1  }
0x2b: {  	[sflag:s29] =	ssyncadd.s32 $0xFFFFFFFF  }
0x2c: {  	_ =	strace $0x90000048  }
0x2d: {  	_ =	sfence  }
0x2e: {  	s30 =	sld [smem:$0x0];
	_ =	sdelay $0x2  }
0x2f: {  	s31 =	sshll.u32 s3, $0xD;
	s3 =	sshrl.u32 s3, $0x2  }
0x30: {  	s2 =	sand.u32 $0x4000, s31;
	s1 =	sadd.s32 s3, s30  }
0x31: {  	s0 =	sor.u32 s2, s0;
	s1 =	sshll.u32 s1, $0x11  }
0x32: {  	s0 =	sor.u32 s1, s0  }
0x33: {  	s0 =	sadd.s32 $0x8F2B, s0  }
0x34: {  	[sflag:s0] =	ssyncadd.remote.s32 $0x1  }
0x35: {  	_ =	sfence.sel $0xFFFF  }
0x36: {  	[dreg:$0x0] =	wrdreg $0xFFFFFFFF;
	(pc) =	sbr.abs _section_cstart, $3  }
0x37: {  	[dreg:$0x1] =	wrdreg $0xFFFFFFFF  }
0x38: {  	_ =	task.clear_ibuf [dreg:s6], $0x2FFFF;
	_ =	strace $0x9FFFFFFF  }
0x39: {  	(tm) =	ssettm $0x7FFFFFFF  }
tec
execute0_lowered:
.L_overlay_start_1:
0x0: {  	(tag) =	ssettag $0x1  }
0x1: {  	s0 =	stileid.u32  }
0x2: {  	s1 =	srdreg.scid;
	s3 =	rddreg [dreg:$0x0];
	s7 =	simm.s32 $0x1  }
0x3: {  	s6 =	simm.s32 $0x1;
	s2 =	sshll.u32 s0, $0x5;
	s1 =	sshll.u32 s1, $0x9  }
0x4: {  	s31 =	simm.s32 $0x2;
	s16 =	simm.s32 $0x0;
	s1 =	sor.u32 s2, s1  }
0x5: {  	s9 =	simm.s32 $0x4000;
	s14 =	simm.s32 $0x0;
	s2 =	sand.u32 $0x380, s1  }
0x6: {  	s15 =	simm.s32 $0x0;
	s10 =	simm.s32 $0x0;
	s5 =	ssub.s32 $0x800, s2  }
0x7: {  	s13 =	simm.s32 $0x0;
	s1 =	rddreg [dreg:$0x1];
	s4 =	sand.u32 $0x380, s5  }
.Ltmp0:
0x8: {  	_ =	strace $0x80000047;
	p0 =	sne.s32 s4, $0x0;
	(pc) =	sbr.rel .LBB1_1-.Ltmp0, $4  }
0x9: {  	[sflag:s6] =	ssyncpa.u1 $0x0;
	s8 =	sshrl.u32 s5, $0xA;
	s7 =	simm.s32 @!p0 $0x0  }
0xa: {  	s11 =	smov.u32 s2;
	s5 =	sand.u32 $0x3, s0;
	s7 =	sadd.s32 s7, s8  }
0xb: {  	[sflag:s31] =	ssyncpa.u1 $0x0;
	s4 =	sadd.s32 $0x200000, s3;
	s7 =	sshll.u32 s7, $0x4  }
0xc: {  	s12 =	smov.u32 s5;
	p0 =	por $0x0, $0x0;
	s8 =	sor.u32 $0x1, s7  }
.LBB1_4:
0xd: {  	v5 =	vld [tilespmem:s19+$0xFFFFFFD0]  }
0xe: {  	[tilespmem:s20+$0x2040 ss:$0x81] =	vst.msk $0xffff, v1;
	v58 =	vld [tilespmem:s19+$0xFFFFFFE0]  }
0xf: {  	[tilespmem:s20+$0x2850 ss:$0x81] =	vst.msk $0xffff, v2;
	v59 =	vld [tilespmem:s19+$0xFFFFFFF0]  }
0x10: {  	s21 =	sshra.s32 s21, $0x2;
	[tilespmem:s20+$0x3060 ss:$0x81] =	vst.msk $0xffff, v3;
	v60 =	vld [tilespmem:s19+$0x0]  }
0x11: {  	[tilespmem:s20+$0x0 ss:$0x81] =	vst.msk $0xffff, v0;
	v61 =	vld [tilespmem:s19+$0x10];
	s18 =	sadd.s32 s21, s18  }
0x12: {  	s26 =	sshll.u32 s16, $0xB;
	v62 =	vld [tilespmem:s19+$0x20];
	[tilespmem:s18+$0x3870 ss:$0x81] =	vst.msk $0xffff, v4  }
0x13: {  	s27 =	sand.u32 $0x78, s14;
	s22 =	sshll.u32 s14, $0x3;
	v63 =	vld [tilespmem:s19+$0xFFFFFFC0];
	s29 =	sshll.u32 s16, $0x7;
	[tilespmem:s18+$0x810 ss:$0x81] =	vst.msk $0xffff, v5  }
0x14: {  	s15 =	sshll.u32 s15, $0x13;
	s20 =	sand.u32 $0x3FC000, s26;
	s28 =	sand.u32 $0x3FFC00, s22;
	[tilespmem:s18+$0x1020 ss:$0x81] =	vst.msk $0xffff, v58  }
0x15: {  	s31 =	sand.u32 $0x7, s14;
	s22 =	sand.u32 $0x400, s22;
	s19 =	sadd.s32 s28, s20;
	[tilespmem:s18+$0x1830 ss:$0x81] =	vst.msk $0xffff, v59  }
0x16: {  	s16 =	sand.u32 $0x380, s29;
	s30 =	sor.u32 s27, s22;
	s19 =	sshrl.u32 s19, $0x3;
	[tilespmem:s18+$0x2040 ss:$0x81] =	vst.msk $0xffff, v60  }
0x17: {  	s15 =	sadd.s32 s4, s15;
	s16 =	sor.u32 s16, s30;
	s19 =	sand.u32 $0x7FF00, s19;
	[tilespmem:s18+$0x2850 ss:$0x81] =	vst.msk $0xffff, v61  }
0x18: {  	s14 =	sshll.u32 s31, $0x12;
	s16 =	sshrl.u32 s16, $0x3;
	[tilespmem:s18+$0x3060 ss:$0x81] =	vst.msk $0xffff, v62;
	s15 =	sadd.s32 s19, s15  }
0x19: {  	s14 =	sor.u32 $0x400, s14;
	[tilespmem:s18+$0x0 ss:$0x81] =	vst.msk $0xffff, v63;
	s15 =	sadd.s32 s16, s15  }
0x1a: {  	[hbm4b:s15+s14] =	stream.strided.scatter [tilespmem:s17], [sflag:$0x2], $0x4000, s9, s14, $0x20;
	[tilespmem:$0x10100] =	vst v63  }
.LBB1_5:
0x1b: {  	s17 =	sadd.s32 $0x80, s10  }
0x1c: {  	s14 =	sadd.s32 $0x400, s11;
	s18 =	smov.u32 s11;
	p2 =	sgt.s32 s17, $0x7FF  }
0x1d: {  	s18 =	smov.u32 @p2 s14  }
0x1e: {  	s20 =	smov.u32 s12;
	s14 =	sadd.s32 $0x4, s12;
	p3 =	sgt.s32 s18, $0x7FF  }
0x1f: {  	s20 =	smov.u32 @p3 s14  }
0x20: {  	s17 =	simm.s32 @p2 $0x0;
	p2 =	sgt.s32 s20, $0x3  }
0x21: {  	p1 =	slt.u32 s13, $0x2;
	s20 =	smov.u32 @p2 s5;
	p2 =	sne.s32 s13, s8  }
.Ltmp1:
0x22: {  	s19 =	simm.s32 @!p1 $0x2;
	(pc) =	sbr.rel @!p2 .LBB1_6-.Ltmp1, $4  }
0x23: {  	s16 =	smov.u32 s10;
	s15 =	smov.u32 s12;
	_ =	swait.ge @!p1 [sflag:s19], $0x4000  }
0x24: {  	p0 =	por !p0, !p0;
	[sflag:s19] =	ssyncset.done @!p1 $0x0;
	s10 =	smov.u32 s17  }
0x25: {  	s18 =	smov.u32 @p3 s2;
	s14 =	smov.u32 s11;
	[sflag:s19] =	ssyncadd.s32 @!p1 $0xFFFFC000  }
0x26: {  	s11 =	smov.u32 s18;
	s13 =	sadd.s32 $0x1, s13;
	s12 =	smov.u32 s20  }
.LBB1_1:
0x27: {  	p1 =	sge.u32 s13, s7;
	s31 =	sadd.s32 $0xFFFFFFFF, s13  }
0x28: {  	s17 =	sxor.u32 @!p1 $0xFFFFFFFF, s13;
	s18 =	sand.u32 @!p1 $0x78, s10;
	s19 =	sshll.u32 @!p1 s11, $0xB  }
0x29: {  	s20 =	sshll.u32 @!p1 s11, $0x7;
	s21 =	sshll.u32 @!p1 s10, $0x3;
	s17 =	sshll.u32 @!p1 s17, $0xE  }
0x2a: {  	s19 =	sand.u32 @!p1 $0x3FC000, s19;
	s20 =	sand.u32 @!p1 $0x380, s20;
	s17 =	sand.u32 @!p1 $0x4000, s17  }
0x2b: {  	s19 =	sadd.s32 @!p1 s19, s21;
	s21 =	sand.u32 @!p1 $0x400, s21;
	s18 =	sor.u32 @!p1 s20, s18  }
0x2c: {  	s20 =	sshll.u32 @!p1 s12, $0x13;
	s18 =	sor.u32 @!p1 s21, s18;
	s19 =	sshrl.u32 @!p1 s19, $0x3  }
0x2d: {  	s20 =	sadd.s32 @!p1 s3, s20;
	s21 =	sand.u32 @!p1 $0x7, s10;
	s19 =	sand.u32 @!p1 $0x7FF00, s19  }
0x2e: {  	s18 =	sshrl.u32 @!p1 s18, $0x3;
	s19 =	sadd.s32 @!p1 s19, s20;
	s20 =	sshll.u32 @!p1 s21, $0x12  }
0x2f: {  	s18 =	sadd.s32 @!p1 s18, s19;
	s19 =	sor.u32 @!p1 $0x400, s20;
	s20 =	simm.s32 @!p1 $0x4000  }
0x30: {  	[tilespmem:s17], [sflag:$0x1] =	stream.strided.gather @!p1 [hbm4b:s18+s19], $0x4000, s20, s19, $0x38;
	[tilespmem:$0x10100] =	vst v63  }
0x31: {  	p1 =	sge.u32 s31, s7  }
.Ltmp2:
0x32: {  	_ = 	snop;
	(pc) =	sbr.rel @p1 .LBB1_5-.Ltmp2, $1  }
0x33: {  	_ =	sdelay $0x3  }
0x34: {  	s17 =	simm.s32 $0x1  }
0x35: {  	_ =	swait.ge [sflag:s6], $0x4000;
	s17 =	simm.s32 @!p0 $0x0  }
0x36: {  	[sflag:s6] =	ssyncset.done $0x0;
	s18 =	sshll.u32 s17, $0xE  }
0x37: {  	[sflag:s6] =	ssyncadd.s32 $0xFFFFC000;
	s19 =	sor.u32 $0x40, s18  }
0x38: {  	s17 =	smul.u32 $0x10200, s17;
	v0 =	vld [tilespmem:s19+$0x30]  }
0x39: {  	v3 =	vld [tilespmem:s19+$0xFFFFFFD0]  }
0x3a: {  	s17 =	sshrl.u32 s17, $0x2;
	v4 =	vld [tilespmem:s19+$0xFFFFFFE0]  }
0x3b: {  	v5 =	vld [tilespmem:s19+$0xFFFFFFF0];
	s18 =	sor.u32 $0x8000, s17  }
0x3c: {  	s31 =	sand.u32 $0x1, s13;
	v1 =	vld [tilespmem:s19+$0x0];
	s20 =	sadd.s32 $0x0, s18  }
0x3d: {  	v2 =	vld [tilespmem:s19+$0x10];
	s17 =	smul.u32 $0x10200, s31;
	[tilespmem:s20+$0x3870 ss:$0x81] =	vst.msk $0xffff, v0  }
0x3e: {  	[tilespmem:s20+$0x810 ss:$0x81] =	vst.msk $0xffff, v3;
	v3 =	vld [tilespmem:s19+$0x20]  }
0x3f: {  	s17 =	sshrl.u32 s17, $0x2;
	v0 =	vld [tilespmem:s19+$0xFFFFFFC0];
	[tilespmem:s20+$0x1020 ss:$0x81] =	vst.msk $0xffff, v4;
	s19 =	sadd.s32 $0x80, s19  }
0x40: {  	s21 =	simm.s32 $0x4;
	s22 =	simm.s32 $0x8;
	s17 =	sor.u32 $0x8000, s17;
	[tilespmem:s20+$0x1830 ss:$0x81] =	vst.msk $0xffff, v5;
	v4 =	vld [tilespmem:s19+$0x30]  }
.LBB1_3:
0x41: {  	p1 =	sne.s32 s22, $0x1FC;
	v5 =	vld [tilespmem:s19+$0xFFFFFFD0];
	[tilespmem:s20+$0x2040 ss:$0x81] =	vst.msk $0xffff, v1  }
0x42: {  	v6 =	vld [tilespmem:s19+$0xFFFFFFE0];
	[tilespmem:s20+$0x2850 ss:$0x81] =	vst.msk $0xffff, v2  }
0x43: {  	s23 =	sshra.s32 s21, $0x2;
	s21 =	smov.u32 s22;
	v7 =	vld [tilespmem:s19+$0xFFFFFFF0];
	[tilespmem:s20+$0x3060 ss:$0x81] =	vst.msk $0xffff, v3  }
.Ltmp3:
0x44: {  	v1 =	vld [tilespmem:s19+$0x0];
	[tilespmem:s20+$0x0 ss:$0x81] =	vst.msk $0xffff, v0;
	s20 =	sadd.s32 s23, s18;
	(pc) =	sbr.rel @p1 .LBB1_3-.Ltmp3, $4  }
0x45: {  	v2 =	vld [tilespmem:s19+$0x10];
	[tilespmem:s20+$0x3870 ss:$0x81] =	vst.msk $0xffff, v4  }
0x46: {  	[tilespmem:s20+$0x810 ss:$0x81] =	vst.msk $0xffff, v5;
	v3 =	vld [tilespmem:s19+$0x20]  }
0x47: {  	v0 =	vld [tilespmem:s19+$0xFFFFFFC0];
	[tilespmem:s20+$0x1020 ss:$0x81] =	vst.msk $0xffff, v6;
	s19 =	sadd.s32 $0x80, s19  }
0x48: {  	s22 =	sadd.s32 $0x4, s22;
	v4 =	vld [tilespmem:s19+$0x30];
	[tilespmem:s20+$0x1830 ss:$0x81] =	vst.msk $0xffff, v7  }
.Ltmp4:
0x49: {  	_ = 	snop;
	(pc) =	sbr.rel .LBB1_4-.Ltmp4, $1  }
0x4a: {  	_ =	sdelay $0x3  }
.LBB1_6:
0x4b: {  	_ =	sfence.sel $0x180000  }
0x4c: {  	s2 =	simm.s32 $0x1;
	[bflag:$0x0] =	sbarrier.arrive $0xFFFF  }
0x4d: {  	s31 =	simm.s32 $0x2;
	[sflag:s2] =	ssyncpa.u1 $0x1  }
0x4e: {  	[sflag:s31] =	ssyncpa.u1 $0x1  }
0x4f: {  	p0 =	sne.s32 s0, $0x0;
	_ =	strace $0x90000047  }
0x50: {  	s0 =	sadd.s32 @!p0 $0x100000, s1;
	[bflag:$0x2] =	sbarrier.arrive $0xFFFF  }
0x51: {  	[sflag:s0] =	ssyncadd.tile.s32 @!p0 $0x1;
	_ =	shalt  }
.Lfunc_end1:
_tile_overlayer_lowered:
.L_overlay_start_2:
0x52: {  	(tag) =	ssettag $0x2  }
0x53: {  	s0 =	rddreg [dreg:$0x0];
	s2 =	stileid.u32  }
0x54: {  	s1 =	rddreg [dreg:$0x1];
	p0 =	sne.s32 s2, $0x0  }
0x55: {  	s3 =	rddreg [dreg:$0x2];
	[bflag:$0x3] =	sbarrier.arrive $0xFFFF;
	s2 =	simm.s32 @!p0 $0x1C01  }
0x56: {  	[timem:s3], [sflag:s2] =	dma.local @!p0 [hbm:s0], s1  }
0x57: {  	s0 =	simm.s32 @!p0 $0x1  }
0x58: {  	_ =	swait.ge @!p0 [sflag:s0], s1  }
0x59: {  	s1 =	ssub.s32 @!p0 $0x0, s1;
	[sflag:s0] =	ssyncset.done @!p0 $0x0  }
0x5a: {  	[sflag:s0] =	ssyncadd.s32 @!p0 s1  }
0x5b: {  	[bflag:$0x3] =	sbarrier.arrive $0xFFFF  }
0x5c: {  	_ =	shalt  }

// kernel: sparse-core-data-format-call.3.cloned.1.call-start
scs
called_computation.3_lowered:
.L_overlay_start_0:
0x0: {  	s2 =	sld [smem:$0x3FD9]  }
0x1: {  	s3 =	sld [smem:$0x3FFE];
	_ =	sdelay $0x1  }
0x2: {  	s1 =	srdreg.scid  }
0x3: {  	s0 =	sand.u32 $0x1, s1  }
0x4: {  	s18 =	sshll.u32 s0, $0xA;
	s2 =	sadd.s32 s3, s2  }
0x5: {  	s2 =	sadd.s32 s2, s18  }
0x6: {  	[smem:$0x3FB4] =	sst s2  }
0x7: {  	_ = 	snop  }
0x8: {  	(tm) =	ssettm $0x1  }
0x9: {  	s19 =	sld [smem:$0x3FFB];
	_ =	sdelay $0x3  }
0xa: {  	_ =	strace s19  }
0xb: {  	s2 =	sld [smem:$0x3FFC];
	_ =	sdelay $0x3  }
0xc: {  	_ =	strace s2  }
0xd: {  	s2 =	sld [smem:$0x3FFD];
	_ =	sdelay $0x3  }
0xe: {  	_ =	strace s2  }
0xf: {  	_ =	strace $0x8FFFFFFF  }
0x10: {  	s20 =	sld [smem:$0x3FDB];
	_ =	sdelay $0x1  }
0x11: {  	s21 =	simm.s32 $_scs_section_size  }
0x12: {  	s4 =	simm.s32 $_size__tile_overlayer_lowered;
	s5 =	simm.s32 $_tile_overlayer_lowered  }
0x13: {  	s6 =	simm.s32 $0x1BFF;
	s22 =	sshll.u32 s5, $0x1;
	s3 =	sadd.s32 s21, s20  }
0x14: {  	s23 =	simm.s32 $0x0;
	s4 =	sshll.u32 s4, $0x1;
	s5 =	sadd.s32 s22, s3  }
0x15: {  	[timem:s23], [sflag:s6] =	dma.local [hbm:s5], s4  }
0x16: {  	_ =	swait.ge [sflag:s6], s4  }
0x17: {  	s4 =	ssub.s32 $0x0, s4;
	[sflag:s6] =	ssyncset.done $0x0  }
0x18: {  	[sflag:s6] =	ssyncadd.s32 s4;
	_ =	sdelay $0x1  }
0x19: {  	s24 =	simm.s32 $0x1B8B  }
0x1a: {  	_ =	swait.ge [sflag:s24], $0x1  }
0x1b: {  	[sflag:s24] =	ssyncset.done $0x0  }
0x1c: {  	[sflag:s24] =	ssyncadd.s32 $0xFFFFFFFF  }
0x1d: {  	s4 =	sld [smem:$0x0]  }
0x1e: {  	s5 =	sand.u32 $0xFFFFFFFE, s1  }
0x1f: {  	p0 =	sne.s32 s1, s5  }
0x20: {  	s5 =	sshll.u32 @p0 s5, $0xE  }
0x21: {  	s5 =	sadd.s32 @p0 $0x11B8D, s5;
	s6 =	sshll.u32 @p0 s4, $0x11  }
0x22: {  	s5 =	sor.u32 @p0 s6, s5  }
0x23: {  	[sflag:s5] =	ssyncadd.remote.s32 @p0 $0x1;
	_ =	sdelay $0x1  }
0x24: {  	s5 =	simm.s32 @p0 $0x1B8D  }
0x25: {  	_ =	swait.eq @p0 [sflag:s5], $0x1  }
0x26: {  	[sflag:s5] =	ssyncadd.s32 @p0 $0xFFFFFFFF  }
0x27: {  	s6 =	sshll.u32 @!p0 s1, $0xE  }
0x28: {  	s6 =	sor.u32 @!p0 $0x4000, s6;
	s5 =	simm.s32 @!p0 $0x1B8D  }
0x29: {  	s4 =	sshll.u32 @!p0 s4, $0x11;
	s6 =	sadd.s32 @!p0 $0x11B8D, s6;
	_ =	swait.eq @!p0 [sflag:s5], $0x1  }
0x2a: {  	s4 =	sor.u32 @!p0 s4, s6;
	[sflag:s5] =	ssyncadd.s32 @!p0 $0xFFFFFFFF  }
0x2b: {  	s26 =	simm.s32 $0x1B8E;
	s25 =	sld [smem:$0x3FFE];
	[sflag:s4] =	ssyncadd.remote.s32 @!p0 $0x1  }
0x2c: {  	s27 =	simm.s32 $execute0_lowered;
	[smem:$0x3FD2] =	sst s26  }
0x2d: {  	s5 =	sshll.u32 s27, $0x1;
	_ =	strace $0x80000055;
	[dreg:$0x1] =	wrdreg $0xFFFFFFFF  }
0x2e: {  	s28 =	simm.s32 $_size_execute0_lowered;
	s3 =	sadd.s32 s3, s5;
	[dreg:$0x0] =	wrdreg $0x0  }
0x2f: {  	s5 =	sshll.u32 s28, $0x1;
	[dreg:$0x2] =	wrdreg s3  }
0x30: {  	[dreg:$0x3] =	wrdreg s5  }
0x31: {  	[dreg:$0x4] =	wrdreg $0xC0  }
0x32: {  	_ =	task [dreg:s23], $0x5FFFF  }
0x33: {  	[dreg:$0x1] =	wrdreg $0xFFFFFFFF  }
0x34: {  	[dreg:$0x0] =	wrdreg $0x60  }
0x35: {  	[dreg:$0x2] =	wrdreg s25  }
0x36: {  	[dreg:$0x3] =	wrdreg $0xA  }
0x37: {  	_ =	task.clear_ibuf [dreg:s23], $0x4FFFF;
	_ =	strace $0x90000055  }
0x38: {  	s29 =	simm.s32 $0xA;
	_ =	strace $0x80000057  }
0x39: {  	_ =	swait.ge [sflag:s29], $0x1  }
0x3a: {  	[sflag:s29] =	ssyncadd.s32 $0xFFFFFFFF  }
0x3b: {  	_ =	strace $0x90000057  }
0x3c: {  	_ =	sfence  }
0x3d: {  	s30 =	sld [smem:$0x0];
	_ =	sdelay $0x2  }
0x3e: {  	s31 =	sshll.u32 s1, $0xD;
	s1 =	sshrl.u32 s1, $0x2  }
0x3f: {  	s4 =	sand.u32 $0x4000, s31;
	s1 =	sadd.s32 s1, s30  }
0x40: {  	s0 =	sor.u32 s4, s0;
	s1 =	sshll.u32 s1, $0x11  }
0x41: {  	s0 =	sor.u32 s1, s0  }
0x42: {  	s0 =	sadd.s32 $0x8F2B, s0  }
0x43: {  	[sflag:s0] =	ssyncadd.remote.s32 $0x1  }
0x44: {  	_ =	sfence.sel $0xFFFF  }
0x45: {  	[dreg:$0x0] =	wrdreg $0xFFFFFFFF;
	(pc) =	sbr.abs _section_cstart, $3  }
0x46: {  	[dreg:$0x1] =	wrdreg $0xFFFFFFFF  }
0x47: {  	_ =	task.clear_ibuf [dreg:s23], $0x2FFFF;
	_ =	strace $0x9FFFFFFF  }
0x48: {  	(tm) =	ssettm $0x7FFFFFFF  }
0x49: {  	_ =	shalt  }
tec
execute0_lowered:
.L_overlay_start_1:
0x0: {  	(tag) =	ssettag $0x1  }
0x1: {  	s0 =	stileid.u32;
	s1 =	srdreg.scid  }
0x2: {  	s4 =	rddreg [dreg:$0x0];
	s7 =	simm.s32 $0x1;
	s31 =	simm.s32 $0x2  }
0x3: {  	s16 =	simm.s32 $0x0;
	s2 =	sshll.u32 s0, $0x5;
	s1 =	sshll.u32 s1, $0x9  }
0x4: {  	s9 =	simm.s32 $0x4000;
	s14 =	simm.s32 $0x0;
	s1 =	sor.u32 s2, s1  }
0x5: {  	s15 =	simm.s32 $0x0;
	s10 =	simm.s32 $0x0;
	s2 =	sand.u32 $0x380, s1  }
0x6: {  	s13 =	simm.s32 $0x0;
	s3 =	sadd.s32 $0x640000, s4;
	s5 =	ssub.s32 $0x800, s2  }
0x7: {  	s4 =	sadd.s32 $0x840000, s4;
	s1 =	rddreg [dreg:$0x1];
	s6 =	sand.u32 $0x380, s5  }
.Ltmp0:
0x8: {  	_ =	strace $0x80000056;
	p0 =	sne.s32 s6, $0x0;
	(pc) =	sbr.rel .LBB1_1-.Ltmp0, $4  }
0x9: {  	s11 =	smov.u32 s2;
	s8 =	sshrl.u32 s5, $0xA;
	s7 =	simm.s32 @!p0 $0x0  }
0xa: {  	s5 =	sand.u32 $0x3, s0;
	s6 =	simm.s32 $0x1;
	s7 =	sadd.s32 s7, s8  }
0xb: {  	s12 =	smov.u32 s5;
	[sflag:s6] =	ssyncpa.u1 $0x0;
	s7 =	sshll.u32 s7, $0x4  }
0xc: {  	p0 =	por $0x0, $0x0;
	[sflag:s31] =	ssyncpa.u1 $0x0;
	s8 =	sor.u32 $0x1, s7  }
.LBB1_4:
0xd: {  	v5 =	vld [tilespmem:s19+$0xFFFFFFD0]  }
0xe: {  	[tilespmem:s20+$0x2040 ss:$0x81] =	vst.msk $0xffff, v1;
	v58 =	vld [tilespmem:s19+$0xFFFFFFE0]  }
0xf: {  	[tilespmem:s20+$0x2850 ss:$0x81] =	vst.msk $0xffff, v2;
	v59 =	vld [tilespmem:s19+$0xFFFFFFF0]  }
0x10: {  	s21 =	sshra.s32 s21, $0x2;
	[tilespmem:s20+$0x3060 ss:$0x81] =	vst.msk $0xffff, v3;
	v60 =	vld [tilespmem:s19+$0x0]  }
0x11: {  	[tilespmem:s20+$0x0 ss:$0x81] =	vst.msk $0xffff, v0;
	v61 =	vld [tilespmem:s19+$0x10];
	s18 =	sadd.s32 s21, s18  }
0x12: {  	s26 =	sshll.u32 s16, $0xB;
	v62 =	vld [tilespmem:s19+$0x20];
	[tilespmem:s18+$0x3870 ss:$0x81] =	vst.msk $0xffff, v4  }
0x13: {  	s27 =	sand.u32 $0x78, s14;
	s22 =	sshll.u32 s14, $0x3;
	v63 =	vld [tilespmem:s19+$0xFFFFFFC0];
	s29 =	sshll.u32 s16, $0x7;
	[tilespmem:s18+$0x810 ss:$0x81] =	vst.msk $0xffff, v5  }
0x14: {  	s15 =	sshll.u32 s15, $0x13;
	s20 =	sand.u32 $0x3FC000, s26;
	s28 =	sand.u32 $0x3FFC00, s22;
	[tilespmem:s18+$0x1020 ss:$0x81] =	vst.msk $0xffff, v58  }
0x15: {  	s31 =	sand.u32 $0x7, s14;
	s22 =	sand.u32 $0x400, s22;
	s19 =	sadd.s32 s28, s20;
	[tilespmem:s18+$0x1830 ss:$0x81] =	vst.msk $0xffff, v59  }
0x16: {  	s16 =	sand.u32 $0x380, s29;
	s30 =	sor.u32 s27, s22;
	s19 =	sshrl.u32 s19, $0x3;
	[tilespmem:s18+$0x2040 ss:$0x81] =	vst.msk $0xffff, v60  }
0x17: {  	s15 =	sadd.s32 s4, s15;
	s16 =	sor.u32 s16, s30;
	s19 =	sand.u32 $0x7FF00, s19;
	[tilespmem:s18+$0x2850 ss:$0x81] =	vst.msk $0xffff, v61  }
0x18: {  	s14 =	sshll.u32 s31, $0x12;
	s16 =	sshrl.u32 s16, $0x3;
	[tilespmem:s18+$0x3060 ss:$0x81] =	vst.msk $0xffff, v62;
	s15 =	sadd.s32 s19, s15  }
0x19: {  	s14 =	sor.u32 $0x400, s14;
	[tilespmem:s18+$0x0 ss:$0x81] =	vst.msk $0xffff, v63;
	s15 =	sadd.s32 s16, s15  }
0x1a: {  	[hbm4b:s15+s14] =	stream.strided.scatter [tilespmem:s17], [sflag:$0x2], $0x4000, s9, s14, $0x20;
	[tilespmem:$0x10100] =	vst v63  }
.LBB1_5:
0x1b: {  	s17 =	sadd.s32 $0x80, s10  }
0x1c: {  	s14 =	sadd.s32 $0x400, s11;
	s18 =	smov.u32 s11;
	p2 =	sgt.s32 s17, $0x7FF  }
0x1d: {  	s18 =	smov.u32 @p2 s14  }
0x1e: {  	s20 =	smov.u32 s12;
	s14 =	sadd.s32 $0x4, s12;
	p3 =	sgt.s32 s18, $0x7FF  }
0x1f: {  	s20 =	smov.u32 @p3 s14  }
0x20: {  	s17 =	simm.s32 @p2 $0x0;
	p2 =	sgt.s32 s20, $0x3  }
0x21: {  	p1 =	slt.u32 s13, $0x2;
	s20 =	smov.u32 @p2 s5;
	p2 =	sne.s32 s13, s8  }
.Ltmp1:
0x22: {  	s19 =	simm.s32 @!p1 $0x2;
	(pc) =	sbr.rel @!p2 .LBB1_6-.Ltmp1, $4  }
0x23: {  	s16 =	smov.u32 s10;
	s15 =	smov.u32 s12;
	_ =	swait.ge @!p1 [sflag:s19], $0x4000  }
0x24: {  	p0 =	por !p0, !p0;
	[sflag:s19] =	ssyncset.done @!p1 $0x0;
	s10 =	smov.u32 s17  }
0x25: {  	s18 =	smov.u32 @p3 s2;
	s14 =	smov.u32 s11;
	[sflag:s19] =	ssyncadd.s32 @!p1 $0xFFFFC000  }
0x26: {  	s11 =	smov.u32 s18;
	s13 =	sadd.s32 $0x1, s13;
	s12 =	smov.u32 s20  }
.LBB1_1:
0x27: {  	p1 =	sge.u32 s13, s7;
	s31 =	sadd.s32 $0xFFFFFFFF, s13  }
0x28: {  	s17 =	sxor.u32 @!p1 $0xFFFFFFFF, s13;
	s18 =	sand.u32 @!p1 $0x78, s10;
	s19 =	sshll.u32 @!p1 s11, $0xB  }
0x29: {  	s20 =	sshll.u32 @!p1 s11, $0x7;
	s21 =	sshll.u32 @!p1 s10, $0x3;
	s17 =	sshll.u32 @!p1 s17, $0xE  }
0x2a: {  	s19 =	sand.u32 @!p1 $0x3FC000, s19;
	s20 =	sand.u32 @!p1 $0x380, s20;
	s17 =	sand.u32 @!p1 $0x4000, s17  }
0x2b: {  	s19 =	sadd.s32 @!p1 s19, s21;
	s21 =	sand.u32 @!p1 $0x400, s21;
	s18 =	sor.u32 @!p1 s20, s18  }
0x2c: {  	s20 =	sshll.u32 @!p1 s12, $0x13;
	s18 =	sor.u32 @!p1 s21, s18;
	s19 =	sshrl.u32 @!p1 s19, $0x3  }
0x2d: {  	s20 =	sadd.s32 @!p1 s3, s20;
	s21 =	sand.u32 @!p1 $0x7, s10;
	s19 =	sand.u32 @!p1 $0x7FF00, s19  }
0x2e: {  	s18 =	sshrl.u32 @!p1 s18, $0x3;
	s19 =	sadd.s32 @!p1 s19, s20;
	s20 =	sshll.u32 @!p1 s21, $0x12  }
0x2f: {  	s18 =	sadd.s32 @!p1 s18, s19;
	s19 =	sor.u32 @!p1 $0x400, s20;
	s20 =	simm.s32 @!p1 $0x4000  }
0x30: {  	[tilespmem:s17], [sflag:$0x1] =	stream.strided.gather @!p1 [hbm4b:s18+s19], $0x4000, s20, s19, $0x38;
	[tilespmem:$0x10100] =	vst v63  }
0x31: {  	p1 =	sge.u32 s31, s7  }
.Ltmp2:
0x32: {  	_ = 	snop;
	(pc) =	sbr.rel @p1 .LBB1_5-.Ltmp2, $1  }
0x33: {  	_ =	sdelay $0x3  }
0x34: {  	s17 =	simm.s32 $0x1  }
0x35: {  	_ =	swait.ge [sflag:s6], $0x4000;
	s17 =	simm.s32 @!p0 $0x0  }
0x36: {  	[sflag:s6] =	ssyncset.done $0x0;
	s18 =	sshll.u32 s17, $0xE  }
0x37: {  	[sflag:s6] =	ssyncadd.s32 $0xFFFFC000;
	s19 =	sor.u32 $0x40, s18  }
0x38: {  	s17 =	smul.u32 $0x10200, s17;
	v0 =	vld [tilespmem:s19+$0x30]  }
0x39: {  	v3 =	vld [tilespmem:s19+$0xFFFFFFD0]  }
0x3a: {  	s17 =	sshrl.u32 s17, $0x2;
	v4 =	vld [tilespmem:s19+$0xFFFFFFE0]  }
0x3b: {  	v5 =	vld [tilespmem:s19+$0xFFFFFFF0];
	s18 =	sor.u32 $0x8000, s17  }
0x3c: {  	s31 =	sand.u32 $0x1, s13;
	v1 =	vld [tilespmem:s19+$0x0];
	s20 =	sadd.s32 $0x0, s18  }
0x3d: {  	v2 =	vld [tilespmem:s19+$0x10];
	s17 =	smul.u32 $0x10200, s31;
	[tilespmem:s20+$0x3870 ss:$0x81] =	vst.msk $0xffff, v0  }
0x3e: {  	[tilespmem:s20+$0x810 ss:$0x81] =	vst.msk $0xffff, v3;
	v3 =	vld [tilespmem:s19+$0x20]  }
0x3f: {  	s17 =	sshrl.u32 s17, $0x2;
	v0 =	vld [tilespmem:s19+$0xFFFFFFC0];
	[tilespmem:s20+$0x1020 ss:$0x81] =	vst.msk $0xffff, v4;
	s19 =	sadd.s32 $0x80, s19  }
0x40: {  	s21 =	simm.s32 $0x4;
	s22 =	simm.s32 $0x8;
	s17 =	sor.u32 $0x8000, s17;
	[tilespmem:s20+$0x1830 ss:$0x81] =	vst.msk $0xffff, v5;
	v4 =	vld [tilespmem:s19+$0x30]  }
.LBB1_3:
0x41: {  	p1 =	sne.s32 s22, $0x1FC;
	v5 =	vld [tilespmem:s19+$0xFFFFFFD0];
	[tilespmem:s20+$0x2040 ss:$0x81] =	vst.msk $0xffff, v1  }
0x42: {  	v6 =	vld [tilespmem:s19+$0xFFFFFFE0];
	[tilespmem:s20+$0x2850 ss:$0x81] =	vst.msk $0xffff, v2  }
0x43: {  	s23 =	sshra.s32 s21, $0x2;
	s21 =	smov.u32 s22;
	v7 =	vld [tilespmem:s19+$0xFFFFFFF0];
	[tilespmem:s20+$0x3060 ss:$0x81] =	vst.msk $0xffff, v3  }
.Ltmp3:
0x44: {  	v1 =	vld [tilespmem:s19+$0x0];
	[tilespmem:s20+$0x0 ss:$0x81] =	vst.msk $0xffff, v0;
	s20 =	sadd.s32 s23, s18;
	(pc) =	sbr.rel @p1 .LBB1_3-.Ltmp3, $4  }
0x45: {  	v2 =	vld [tilespmem:s19+$0x10];
	[tilespmem:s20+$0x3870 ss:$0x81] =	vst.msk $0xffff, v4  }
0x46: {  	[tilespmem:s20+$0x810 ss:$0x81] =	vst.msk $0xffff, v5;
	v3 =	vld [tilespmem:s19+$0x20]  }
0x47: {  	v0 =	vld [tilespmem:s19+$0xFFFFFFC0];
	[tilespmem:s20+$0x1020 ss:$0x81] =	vst.msk $0xffff, v6;
	s19 =	sadd.s32 $0x80, s19  }
0x48: {  	s22 =	sadd.s32 $0x4, s22;
	v4 =	vld [tilespmem:s19+$0x30];
	[tilespmem:s20+$0x1830 ss:$0x81] =	vst.msk $0xffff, v7  }
.Ltmp4:
0x49: {  	_ = 	snop;
	(pc) =	sbr.rel .LBB1_4-.Ltmp4, $1  }
0x4a: {  	_ =	sdelay $0x3  }
.LBB1_6:
0x4b: {  	_ =	sfence.sel $0x180000  }
0x4c: {  	s2 =	simm.s32 $0x1;
	[bflag:$0x0] =	sbarrier.arrive $0xFFFF  }
0x4d: {  	s31 =	simm.s32 $0x2;
	[sflag:s2] =	ssyncpa.u1 $0x1  }
0x4e: {  	[sflag:s31] =	ssyncpa.u1 $0x1  }
0x4f: {  	p0 =	sne.s32 s0, $0x0;
	_ =	strace $0x90000056  }
0x50: {  	s0 =	sadd.s32 @!p0 $0x100000, s1;
	[bflag:$0x2] =	sbarrier.arrive $0xFFFF  }
0x51: {  	[sflag:s0] =	ssyncadd.tile.s32 @!p0 $0x1;
	_ =	shalt  }
.Lfunc_end1:
_tile_overlayer_lowered:
.L_overlay_start_2:
0x52: {  	(tag) =	ssettag $0x2  }
0x53: {  	s0 =	rddreg [dreg:$0x0];
	s2 =	stileid.u32  }
0x54: {  	s1 =	rddreg [dreg:$0x1];
	p0 =	sne.s32 s2, $0x0  }
0x55: {  	s3 =	rddreg [dreg:$0x2];
	[bflag:$0x3] =	sbarrier.arrive $0xFFFF;
	s2 =	simm.s32 @!p0 $0x1C01  }
0x56: {  	[timem:s3], [sflag:s2] =	dma.local @!p0 [hbm:s0], s1  }
0x57: {  	s0 =	simm.s32 @!p0 $0x1  }
0x58: {  	_ =	swait.ge @!p0 [sflag:s0], s1  }
0x59: {  	s1 =	ssub.s32 @!p0 $0x0, s1;
	[sflag:s0] =	ssyncset.done @!p0 $0x0  }
0x5a: {  	[sflag:s0] =	ssyncadd.s32 @!p0 s1  }
0x5b: {  	[bflag:$0x3] =	sbarrier.arrive $0xFFFF  }
0x5c: {  	_ =	shalt  }

// kernel: sparse-core-data-format-call.4.cloned.1.call-start
scs
called_computation.4_lowered:
.L_overlay_start_0:
0x0: {  	s2 =	sld [smem:$0x3FD9]  }
0x1: {  	s3 =	sld [smem:$0x3FFE];
	_ =	sdelay $0x1  }
0x2: {  	s1 =	srdreg.scid  }
0x3: {  	s0 =	sand.u32 $0x1, s1  }
0x4: {  	s18 =	sshll.u32 s0, $0xA;
	s2 =	sadd.s32 s3, s2  }
0x5: {  	s2 =	sadd.s32 s2, s18  }
0x6: {  	[smem:$0x3FB4] =	sst s2  }
0x7: {  	_ = 	snop  }
0x8: {  	(tm) =	ssettm $0x1  }
0x9: {  	s19 =	sld [smem:$0x3FFB];
	_ =	sdelay $0x3  }
0xa: {  	_ =	strace s19  }
0xb: {  	s2 =	sld [smem:$0x3FFC];
	_ =	sdelay $0x3  }
0xc: {  	_ =	strace s2  }
0xd: {  	s2 =	sld [smem:$0x3FFD];
	_ =	sdelay $0x3  }
0xe: {  	_ =	strace s2  }
0xf: {  	_ =	strace $0x8FFFFFFF  }
0x10: {  	s20 =	sld [smem:$0x3FDB];
	_ =	sdelay $0x1  }
0x11: {  	s21 =	simm.s32 $_scs_section_size  }
0x12: {  	s4 =	simm.s32 $_size__tile_overlayer_lowered;
	s5 =	simm.s32 $_tile_overlayer_lowered  }
0x13: {  	s6 =	simm.s32 $0x1BFF;
	s22 =	sshll.u32 s5, $0x1;
	s3 =	sadd.s32 s21, s20  }
0x14: {  	s23 =	simm.s32 $0x0;
	s4 =	sshll.u32 s4, $0x1;
	s5 =	sadd.s32 s22, s3  }
0x15: {  	[timem:s23], [sflag:s6] =	dma.local [hbm:s5], s4  }
0x16: {  	_ =	swait.ge [sflag:s6], s4  }
0x17: {  	s4 =	ssub.s32 $0x0, s4;
	[sflag:s6] =	ssyncset.done $0x0  }
0x18: {  	[sflag:s6] =	ssyncadd.s32 s4;
	_ =	sdelay $0x1  }
0x19: {  	s24 =	simm.s32 $0x1B8B  }
0x1a: {  	_ =	swait.ge [sflag:s24], $0x1  }
0x1b: {  	[sflag:s24] =	ssyncset.done $0x0  }
0x1c: {  	[sflag:s24] =	ssyncadd.s32 $0xFFFFFFFF  }
0x1d: {  	s4 =	sld [smem:$0x0]  }
0x1e: {  	s5 =	sand.u32 $0xFFFFFFFE, s1  }
0x1f: {  	p0 =	sne.s32 s1, s5  }
0x20: {  	s5 =	sshll.u32 @p0 s5, $0xE  }
0x21: {  	s5 =	sadd.s32 @p0 $0x11B8D, s5;
	s6 =	sshll.u32 @p0 s4, $0x11  }
0x22: {  	s5 =	sor.u32 @p0 s6, s5  }
0x23: {  	[sflag:s5] =	ssyncadd.remote.s32 @p0 $0x1;
	_ =	sdelay $0x1  }
0x24: {  	s5 =	simm.s32 @p0 $0x1B8D  }
0x25: {  	_ =	swait.eq @p0 [sflag:s5], $0x1  }
0x26: {  	[sflag:s5] =	ssyncadd.s32 @p0 $0xFFFFFFFF  }
0x27: {  	s6 =	sshll.u32 @!p0 s1, $0xE  }
0x28: {  	s6 =	sor.u32 @!p0 $0x4000, s6;
	s5 =	simm.s32 @!p0 $0x1B8D  }
0x29: {  	s4 =	sshll.u32 @!p0 s4, $0x11;
	s6 =	sadd.s32 @!p0 $0x11B8D, s6;
	_ =	swait.eq @!p0 [sflag:s5], $0x1  }
0x2a: {  	s4 =	sor.u32 @!p0 s4, s6;
	[sflag:s5] =	ssyncadd.s32 @!p0 $0xFFFFFFFF  }
0x2b: {  	s26 =	simm.s32 $0x1B8E;
	s25 =	sld [smem:$0x3FFE];
	[sflag:s4] =	ssyncadd.remote.s32 @!p0 $0x1  }
0x2c: {  	s27 =	simm.s32 $execute0_lowered;
	[smem:$0x3FD2] =	sst s26  }
0x2d: {  	s5 =	sshll.u32 s27, $0x1;
	_ =	strace $0x8000004F;
	[dreg:$0x1] =	wrdreg $0xFFFFFFFF  }
0x2e: {  	s28 =	simm.s32 $_size_execute0_lowered;
	s3 =	sadd.s32 s3, s5;
	[dreg:$0x0] =	wrdreg $0x0  }
0x2f: {  	s5 =	sshll.u32 s28, $0x1;
	[dreg:$0x2] =	wrdreg s3  }
0x30: {  	[dreg:$0x3] =	wrdreg s5  }
0x31: {  	[dreg:$0x4] =	wrdreg $0xC0  }
0x32: {  	_ =	task [dreg:s23], $0x5FFFF  }
0x33: {  	[dreg:$0x1] =	wrdreg $0xFFFFFFFF  }
0x34: {  	[dreg:$0x0] =	wrdreg $0x60  }
0x35: {  	[dreg:$0x2] =	wrdreg s25  }
0x36: {  	[dreg:$0x3] =	wrdreg $0xA  }
0x37: {  	_ =	task.clear_ibuf [dreg:s23], $0x4FFFF;
	_ =	strace $0x9000004F  }
0x38: {  	s29 =	simm.s32 $0xA;
	_ =	strace $0x80000051  }
0x39: {  	_ =	swait.ge [sflag:s29], $0x1  }
0x3a: {  	[sflag:s29] =	ssyncadd.s32 $0xFFFFFFFF  }
0x3b: {  	_ =	strace $0x90000051  }
0x3c: {  	_ =	sfence  }
0x3d: {  	s30 =	sld [smem:$0x0];
	_ =	sdelay $0x2  }
0x3e: {  	s31 =	sshll.u32 s1, $0xD;
	s1 =	sshrl.u32 s1, $0x2  }
0x3f: {  	s4 =	sand.u32 $0x4000, s31;
	s1 =	sadd.s32 s1, s30  }
0x40: {  	s0 =	sor.u32 s4, s0;
	s1 =	sshll.u32 s1, $0x11  }
0x41: {  	s0 =	sor.u32 s1, s0  }
0x42: {  	s0 =	sadd.s32 $0x8F2B, s0  }
0x43: {  	[sflag:s0] =	ssyncadd.remote.s32 $0x1  }
0x44: {  	_ =	sfence.sel $0xFFFF  }
0x45: {  	[dreg:$0x0] =	wrdreg $0xFFFFFFFF;
	(pc) =	sbr.abs _section_cstart, $3  }
0x46: {  	[dreg:$0x1] =	wrdreg $0xFFFFFFFF  }
0x47: {  	_ =	task.clear_ibuf [dreg:s23], $0x2FFFF;
	_ =	strace $0x9FFFFFFF  }
0x48: {  	(tm) =	ssettm $0x7FFFFFFF  }
0x49: {  	_ =	shalt  }
tec
execute0_lowered:
.L_overlay_start_1:
0x0: {  	(tag) =	ssettag $0x1  }
0x1: {  	s0 =	stileid.u32;
	s1 =	srdreg.scid  }
0x2: {  	s4 =	rddreg [dreg:$0x0];
	s7 =	simm.s32 $0x1;
	s31 =	simm.s32 $0x2  }
0x3: {  	s16 =	simm.s32 $0x0;
	s2 =	sshll.u32 s0, $0x5;
	s1 =	sshll.u32 s1, $0x9  }
0x4: {  	s9 =	simm.s32 $0x4000;
	s14 =	simm.s32 $0x0;
	s1 =	sor.u32 s2, s1  }
0x5: {  	s15 =	simm.s32 $0x0;
	s10 =	simm.s32 $0x0;
	s2 =	sand.u32 $0x380, s1  }
0x6: {  	s13 =	simm.s32 $0x0;
	s3 =	sadd.s32 $0x620000, s4;
	s5 =	ssub.s32 $0x800, s2  }
0x7: {  	s4 =	sadd.s32 $0x820000, s4;
	s1 =	rddreg [dreg:$0x1];
	s6 =	sand.u32 $0x380, s5  }
.Ltmp0:
0x8: {  	_ =	strace $0x80000050;
	p0 =	sne.s32 s6, $0x0;
	(pc) =	sbr.rel .LBB1_1-.Ltmp0, $4  }
0x9: {  	s11 =	smov.u32 s2;
	s8 =	sshrl.u32 s5, $0xA;
	s7 =	simm.s32 @!p0 $0x0  }
0xa: {  	s5 =	sand.u32 $0x3, s0;
	s6 =	simm.s32 $0x1;
	s7 =	sadd.s32 s7, s8  }
0xb: {  	s12 =	smov.u32 s5;
	[sflag:s6] =	ssyncpa.u1 $0x0;
	s7 =	sshll.u32 s7, $0x4  }
0xc: {  	p0 =	por $0x0, $0x0;
	[sflag:s31] =	ssyncpa.u1 $0x0;
	s8 =	sor.u32 $0x1, s7  }
.LBB1_4:
0xd: {  	v5 =	vld [tilespmem:s19+$0xFFFFFFD0]  }
0xe: {  	[tilespmem:s20+$0x2040 ss:$0x81] =	vst.msk $0xffff, v1;
	v58 =	vld [tilespmem:s19+$0xFFFFFFE0]  }
0xf: {  	[tilespmem:s20+$0x2850 ss:$0x81] =	vst.msk $0xffff, v2;
	v59 =	vld [tilespmem:s19+$0xFFFFFFF0]  }
0x10: {  	s21 =	sshra.s32 s21, $0x2;
	[tilespmem:s20+$0x3060 ss:$0x81] =	vst.msk $0xffff, v3;
	v60 =	vld [tilespmem:s19+$0x0]  }
0x11: {  	[tilespmem:s20+$0x0 ss:$0x81] =	vst.msk $0xffff, v0;
	v61 =	vld [tilespmem:s19+$0x10];
	s18 =	sadd.s32 s21, s18  }
0x12: {  	s26 =	sshll.u32 s16, $0xB;
	v62 =	vld [tilespmem:s19+$0x20];
	[tilespmem:s18+$0x3870 ss:$0x81] =	vst.msk $0xffff, v4  }
0x13: {  	s27 =	sand.u32 $0x78, s14;
	s22 =	sshll.u32 s14, $0x3;
	v63 =	vld [tilespmem:s19+$0xFFFFFFC0];
	s29 =	sshll.u32 s16, $0x7;
	[tilespmem:s18+$0x810 ss:$0x81] =	vst.msk $0xffff, v5  }
0x14: {  	s15 =	sshll.u32 s15, $0x13;
	s20 =	sand.u32 $0x3FC000, s26;
	s28 =	sand.u32 $0x3FFC00, s22;
	[tilespmem:s18+$0x1020 ss:$0x81] =	vst.msk $0xffff, v58  }
0x15: {  	s31 =	sand.u32 $0x7, s14;
	s22 =	sand.u32 $0x400, s22;
	s19 =	sadd.s32 s28, s20;
	[tilespmem:s18+$0x1830 ss:$0x81] =	vst.msk $0xffff, v59  }
0x16: {  	s16 =	sand.u32 $0x380, s29;
	s30 =	sor.u32 s27, s22;
	s19 =	sshrl.u32 s19, $0x3;
	[tilespmem:s18+$0x2040 ss:$0x81] =	vst.msk $0xffff, v60  }
0x17: {  	s15 =	sadd.s32 s4, s15;
	s16 =	sor.u32 s16, s30;
	s19 =	sand.u32 $0x7FF00, s19;
	[tilespmem:s18+$0x2850 ss:$0x81] =	vst.msk $0xffff, v61  }
0x18: {  	s14 =	sshll.u32 s31, $0x12;
	s16 =	sshrl.u32 s16, $0x3;
	[tilespmem:s18+$0x3060 ss:$0x81] =	vst.msk $0xffff, v62;
	s15 =	sadd.s32 s19, s15  }
0x19: {  	s14 =	sor.u32 $0x400, s14;
	[tilespmem:s18+$0x0 ss:$0x81] =	vst.msk $0xffff, v63;
	s15 =	sadd.s32 s16, s15  }
0x1a: {  	[hbm4b:s15+s14] =	stream.strided.scatter [tilespmem:s17], [sflag:$0x2], $0x4000, s9, s14, $0x20;
	[tilespmem:$0x10100] =	vst v63  }
.LBB1_5:
0x1b: {  	s17 =	sadd.s32 $0x80, s10  }
0x1c: {  	s14 =	sadd.s32 $0x400, s11;
	s18 =	smov.u32 s11;
	p2 =	sgt.s32 s17, $0x7FF  }
0x1d: {  	s18 =	smov.u32 @p2 s14  }
0x1e: {  	s20 =	smov.u32 s12;
	s14 =	sadd.s32 $0x4, s12;
	p3 =	sgt.s32 s18, $0x7FF  }
0x1f: {  	s20 =	smov.u32 @p3 s14  }
0x20: {  	s17 =	simm.s32 @p2 $0x0;
	p2 =	sgt.s32 s20, $0x3  }
0x21: {  	p1 =	slt.u32 s13, $0x2;
	s20 =	smov.u32 @p2 s5;
	p2 =	sne.s32 s13, s8  }
.Ltmp1:
0x22: {  	s19 =	simm.s32 @!p1 $0x2;
	(pc) =	sbr.rel @!p2 .LBB1_6-.Ltmp1, $4  }
0x23: {  	s16 =	smov.u32 s10;
	s15 =	smov.u32 s12;
	_ =	swait.ge @!p1 [sflag:s19], $0x4000  }
0x24: {  	p0 =	por !p0, !p0;
	[sflag:s19] =	ssyncset.done @!p1 $0x0;
	s10 =	smov.u32 s17  }
0x25: {  	s18 =	smov.u32 @p3 s2;
	s14 =	smov.u32 s11;
	[sflag:s19] =	ssyncadd.s32 @!p1 $0xFFFFC000  }
0x26: {  	s11 =	smov.u32 s18;
	s13 =	sadd.s32 $0x1, s13;
	s12 =	smov.u32 s20  }
.LBB1_1:
0x27: {  	p1 =	sge.u32 s13, s7;
	s31 =	sadd.s32 $0xFFFFFFFF, s13  }
0x28: {  	s17 =	sxor.u32 @!p1 $0xFFFFFFFF, s13;
	s18 =	sand.u32 @!p1 $0x78, s10;
	s19 =	sshll.u32 @!p1 s11, $0xB  }
0x29: {  	s20 =	sshll.u32 @!p1 s11, $0x7;
	s21 =	sshll.u32 @!p1 s10, $0x3;
	s17 =	sshll.u32 @!p1 s17, $0xE  }
0x2a: {  	s19 =	sand.u32 @!p1 $0x3FC000, s19;
	s20 =	sand.u32 @!p1 $0x380, s20;
	s17 =	sand.u32 @!p1 $0x4000, s17  }
0x2b: {  	s19 =	sadd.s32 @!p1 s19, s21;
	s21 =	sand.u32 @!p1 $0x400, s21;
	s18 =	sor.u32 @!p1 s20, s18  }
0x2c: {  	s20 =	sshll.u32 @!p1 s12, $0x13;
	s18 =	sor.u32 @!p1 s21, s18;
	s19 =	sshrl.u32 @!p1 s19, $0x3  }
0x2d: {  	s20 =	sadd.s32 @!p1 s3, s20;
	s21 =	sand.u32 @!p1 $0x7, s10;
	s19 =	sand.u32 @!p1 $0x7FF00, s19  }
0x2e: {  	s18 =	sshrl.u32 @!p1 s18, $0x3;
	s19 =	sadd.s32 @!p1 s19, s20;
	s20 =	sshll.u32 @!p1 s21, $0x12  }
0x2f: {  	s18 =	sadd.s32 @!p1 s18, s19;
	s19 =	sor.u32 @!p1 $0x400, s20;
	s20 =	simm.s32 @!p1 $0x4000  }
0x30: {  	[tilespmem:s17], [sflag:$0x1] =	stream.strided.gather @!p1 [hbm4b:s18+s19], $0x4000, s20, s19, $0x38;
	[tilespmem:$0x10100] =	vst v63  }
0x31: {  	p1 =	sge.u32 s31, s7  }
.Ltmp2:
0x32: {  	_ = 	snop;
	(pc) =	sbr.rel @p1 .LBB1_5-.Ltmp2, $1  }
0x33: {  	_ =	sdelay $0x3  }
0x34: {  	s17 =	simm.s32 $0x1  }
0x35: {  	_ =	swait.ge [sflag:s6], $0x4000;
	s17 =	simm.s32 @!p0 $0x0  }
0x36: {  	[sflag:s6] =	ssyncset.done $0x0;
	s18 =	sshll.u32 s17, $0xE  }
0x37: {  	[sflag:s6] =	ssyncadd.s32 $0xFFFFC000;
	s19 =	sor.u32 $0x40, s18  }
0x38: {  	s17 =	smul.u32 $0x10200, s17;
	v0 =	vld [tilespmem:s19+$0x30]  }
0x39: {  	v3 =	vld [tilespmem:s19+$0xFFFFFFD0]  }
0x3a: {  	s17 =	sshrl.u32 s17, $0x2;
	v4 =	vld [tilespmem:s19+$0xFFFFFFE0]  }
0x3b: {  	v5 =	vld [tilespmem:s19+$0xFFFFFFF0];
	s18 =	sor.u32 $0x8000, s17  }
0x3c: {  	s31 =	sand.u32 $0x1, s13;
	v1 =	vld [tilespmem:s19+$0x0];
	s20 =	sadd.s32 $0x0, s18  }
0x3d: {  	v2 =	vld [tilespmem:s19+$0x10];
	s17 =	smul.u32 $0x10200, s31;
	[tilespmem:s20+$0x3870 ss:$0x81] =	vst.msk $0xffff, v0  }
0x3e: {  	[tilespmem:s20+$0x810 ss:$0x81] =	vst.msk $0xffff, v3;
	v3 =	vld [tilespmem:s19+$0x20]  }
0x3f: {  	s17 =	sshrl.u32 s17, $0x2;
	v0 =	vld [tilespmem:s19+$0xFFFFFFC0];
	[tilespmem:s20+$0x1020 ss:$0x81] =	vst.msk $0xffff, v4;
	s19 =	sadd.s32 $0x80, s19  }
0x40: {  	s21 =	simm.s32 $0x4;
	s22 =	simm.s32 $0x8;
	s17 =	sor.u32 $0x8000, s17;
	[tilespmem:s20+$0x1830 ss:$0x81] =	vst.msk $0xffff, v5;
	v4 =	vld [tilespmem:s19+$0x30]  }
.LBB1_3:
0x41: {  	p1 =	sne.s32 s22, $0x1FC;
	v5 =	vld [tilespmem:s19+$0xFFFFFFD0];
	[tilespmem:s20+$0x2040 ss:$0x81] =	vst.msk $0xffff, v1  }
0x42: {  	v6 =	vld [tilespmem:s19+$0xFFFFFFE0];
	[tilespmem:s20+$0x2850 ss:$0x81] =	vst.msk $0xffff, v2  }
0x43: {  	s23 =	sshra.s32 s21, $0x2;
	s21 =	smov.u32 s22;
	v7 =	vld [tilespmem:s19+$0xFFFFFFF0];
	[tilespmem:s20+$0x3060 ss:$0x81] =	vst.msk $0xffff, v3  }
.Ltmp3:
0x44: {  	v1 =	vld [tilespmem:s19+$0x0];
	[tilespmem:s20+$0x0 ss:$0x81] =	vst.msk $0xffff, v0;
	s20 =	sadd.s32 s23, s18;
	(pc) =	sbr.rel @p1 .LBB1_3-.Ltmp3, $4  }
0x45: {  	v2 =	vld [tilespmem:s19+$0x10];
	[tilespmem:s20+$0x3870 ss:$0x81] =	vst.msk $0xffff, v4  }
0x46: {  	[tilespmem:s20+$0x810 ss:$0x81] =	vst.msk $0xffff, v5;
	v3 =	vld [tilespmem:s19+$0x20]  }
0x47: {  	v0 =	vld [tilespmem:s19+$0xFFFFFFC0];
	[tilespmem:s20+$0x1020 ss:$0x81] =	vst.msk $0xffff, v6;
	s19 =	sadd.s32 $0x80, s19  }
0x48: {  	s22 =	sadd.s32 $0x4, s22;
	v4 =	vld [tilespmem:s19+$0x30];
	[tilespmem:s20+$0x1830 ss:$0x81] =	vst.msk $0xffff, v7  }
.Ltmp4:
0x49: {  	_ = 	snop;
	(pc) =	sbr.rel .LBB1_4-.Ltmp4, $1  }
0x4a: {  	_ =	sdelay $0x3  }
.LBB1_6:
0x4b: {  	_ =	sfence.sel $0x180000  }
0x4c: {  	s2 =	simm.s32 $0x1;
	[bflag:$0x0] =	sbarrier.arrive $0xFFFF  }
0x4d: {  	s31 =	simm.s32 $0x2;
	[sflag:s2] =	ssyncpa.u1 $0x1  }
0x4e: {  	[sflag:s31] =	ssyncpa.u1 $0x1  }
0x4f: {  	p0 =	sne.s32 s0, $0x0;
	_ =	strace $0x90000050  }
0x50: {  	s0 =	sadd.s32 @!p0 $0x100000, s1;
	[bflag:$0x2] =	sbarrier.arrive $0xFFFF  }
0x51: {  	[sflag:s0] =	ssyncadd.tile.s32 @!p0 $0x1;
	_ =	shalt  }
.Lfunc_end1:
_tile_overlayer_lowered:
.L_overlay_start_2:
0x52: {  	(tag) =	ssettag $0x2  }
0x53: {  	s0 =	rddreg [dreg:$0x0];
	s2 =	stileid.u32  }
0x54: {  	s1 =	rddreg [dreg:$0x1];
	p0 =	sne.s32 s2, $0x0  }
0x55: {  	s3 =	rddreg [dreg:$0x2];
	[bflag:$0x3] =	sbarrier.arrive $0xFFFF;
	s2 =	simm.s32 @!p0 $0x1C01  }
0x56: {  	[timem:s3], [sflag:s2] =	dma.local @!p0 [hbm:s0], s1  }
0x57: {  	s0 =	simm.s32 @!p0 $0x1  }
0x58: {  	_ =	swait.ge @!p0 [sflag:s0], s1  }
0x59: {  	s1 =	ssub.s32 @!p0 $0x0, s1;
	[sflag:s0] =	ssyncset.done @!p0 $0x0  }
0x5a: {  	[sflag:s0] =	ssyncadd.s32 @!p0 s1  }
0x5b: {  	[bflag:$0x3] =	sbarrier.arrive $0xFFFF  }
0x5c: {  	_ =	shalt  }

// kernel: sparse-core-data-format-call.5.cloned.1.call-start
scs
called_computation.5_lowered:
.L_overlay_start_0:
0x0: {  	s2 =	sld [smem:$0x3FD9]  }
0x1: {  	s3 =	sld [smem:$0x3FFE];
	_ =	sdelay $0x1  }
0x2: {  	s1 =	srdreg.scid  }
0x3: {  	s0 =	sand.u32 $0x1, s1  }
0x4: {  	s18 =	sshll.u32 s0, $0xA;
	s2 =	sadd.s32 s3, s2  }
0x5: {  	s2 =	sadd.s32 s2, s18  }
0x6: {  	[smem:$0x3FB4] =	sst s2  }
0x7: {  	_ = 	snop  }
0x8: {  	(tm) =	ssettm $0x1  }
0x9: {  	s19 =	sld [smem:$0x3FFB];
	_ =	sdelay $0x3  }
0xa: {  	_ =	strace s19  }
0xb: {  	s2 =	sld [smem:$0x3FFC];
	_ =	sdelay $0x3  }
0xc: {  	_ =	strace s2  }
0xd: {  	s2 =	sld [smem:$0x3FFD];
	_ =	sdelay $0x3  }
0xe: {  	_ =	strace s2  }
0xf: {  	_ =	strace $0x8FFFFFFF  }
0x10: {  	s20 =	sld [smem:$0x3FDB];
	_ =	sdelay $0x1  }
0x11: {  	s21 =	simm.s32 $_scs_section_size  }
0x12: {  	s4 =	simm.s32 $_size__tile_overlayer_lowered;
	s5 =	simm.s32 $_tile_overlayer_lowered  }
0x13: {  	s6 =	simm.s32 $0x1BFF;
	s22 =	sshll.u32 s5, $0x1;
	s3 =	sadd.s32 s21, s20  }
0x14: {  	s23 =	simm.s32 $0x0;
	s4 =	sshll.u32 s4, $0x1;
	s5 =	sadd.s32 s22, s3  }
0x15: {  	[timem:s23], [sflag:s6] =	dma.local [hbm:s5], s4  }
0x16: {  	_ =	swait.ge [sflag:s6], s4  }
0x17: {  	s4 =	ssub.s32 $0x0, s4;
	[sflag:s6] =	ssyncset.done $0x0  }
0x18: {  	[sflag:s6] =	ssyncadd.s32 s4;
	_ =	sdelay $0x1  }
0x19: {  	s24 =	simm.s32 $0x1B8B  }
0x1a: {  	_ =	swait.ge [sflag:s24], $0x1  }
0x1b: {  	[sflag:s24] =	ssyncset.done $0x0  }
0x1c: {  	[sflag:s24] =	ssyncadd.s32 $0xFFFFFFFF  }
0x1d: {  	s4 =	sld [smem:$0x0]  }
0x1e: {  	s5 =	sand.u32 $0xFFFFFFFE, s1  }
0x1f: {  	p0 =	sne.s32 s1, s5  }
0x20: {  	s5 =	sshll.u32 @p0 s5, $0xE  }
0x21: {  	s5 =	sadd.s32 @p0 $0x11B8D, s5;
	s6 =	sshll.u32 @p0 s4, $0x11  }
0x22: {  	s5 =	sor.u32 @p0 s6, s5  }
0x23: {  	[sflag:s5] =	ssyncadd.remote.s32 @p0 $0x1;
	_ =	sdelay $0x1  }
0x24: {  	s5 =	simm.s32 @p0 $0x1B8D  }
0x25: {  	_ =	swait.eq @p0 [sflag:s5], $0x1  }
0x26: {  	[sflag:s5] =	ssyncadd.s32 @p0 $0xFFFFFFFF  }
0x27: {  	s6 =	sshll.u32 @!p0 s1, $0xE  }
0x28: {  	s6 =	sor.u32 @!p0 $0x4000, s6;
	s5 =	simm.s32 @!p0 $0x1B8D  }
0x29: {  	s4 =	sshll.u32 @!p0 s4, $0x11;
	s6 =	sadd.s32 @!p0 $0x11B8D, s6;
	_ =	swait.eq @!p0 [sflag:s5], $0x1  }
0x2a: {  	s4 =	sor.u32 @!p0 s4, s6;
	[sflag:s5] =	ssyncadd.s32 @!p0 $0xFFFFFFFF  }
0x2b: {  	s26 =	simm.s32 $0x1B8E;
	s25 =	sld [smem:$0x3FFE];
	[sflag:s4] =	ssyncadd.remote.s32 @!p0 $0x1  }
0x2c: {  	s27 =	simm.s32 $execute0_lowered;
	[smem:$0x3FD2] =	sst s26  }
0x2d: {  	s5 =	sshll.u32 s27, $0x1;
	_ =	strace $0x80000049;
	[dreg:$0x1] =	wrdreg $0xFFFFFFFF  }
0x2e: {  	s28 =	simm.s32 $_size_execute0_lowered;
	s3 =	sadd.s32 s3, s5;
	[dreg:$0x0] =	wrdreg $0x0  }
0x2f: {  	s5 =	sshll.u32 s28, $0x1;
	[dreg:$0x2] =	wrdreg s3  }
0x30: {  	[dreg:$0x3] =	wrdreg s5  }
0x31: {  	[dreg:$0x4] =	wrdreg $0xC0  }
0x32: {  	_ =	task [dreg:s23], $0x5FFFF  }
0x33: {  	[dreg:$0x1] =	wrdreg $0xFFFFFFFF  }
0x34: {  	[dreg:$0x0] =	wrdreg $0x60  }
0x35: {  	[dreg:$0x2] =	wrdreg s25  }
0x36: {  	[dreg:$0x3] =	wrdreg $0xA  }
0x37: {  	_ =	task.clear_ibuf [dreg:s23], $0x4FFFF;
	_ =	strace $0x90000049  }
0x38: {  	s29 =	simm.s32 $0xA;
	_ =	strace $0x8000004B  }
0x39: {  	_ =	swait.ge [sflag:s29], $0x1  }
0x3a: {  	[sflag:s29] =	ssyncadd.s32 $0xFFFFFFFF  }
0x3b: {  	_ =	strace $0x9000004B  }
0x3c: {  	_ =	sfence  }
0x3d: {  	s30 =	sld [smem:$0x0];
	_ =	sdelay $0x2  }
0x3e: {  	s31 =	sshll.u32 s1, $0xD;
	s1 =	sshrl.u32 s1, $0x2  }
0x3f: {  	s4 =	sand.u32 $0x4000, s31;
	s1 =	sadd.s32 s1, s30  }
0x40: {  	s0 =	sor.u32 s4, s0;
	s1 =	sshll.u32 s1, $0x11  }
0x41: {  	s0 =	sor.u32 s1, s0  }
0x42: {  	s0 =	sadd.s32 $0x8F2B, s0  }
0x43: {  	[sflag:s0] =	ssyncadd.remote.s32 $0x1  }
0x44: {  	_ =	sfence.sel $0xFFFF  }
0x45: {  	[dreg:$0x0] =	wrdreg $0xFFFFFFFF;
	(pc) =	sbr.abs _section_cstart, $3  }
0x46: {  	[dreg:$0x1] =	wrdreg $0xFFFFFFFF  }
0x47: {  	_ =	task.clear_ibuf [dreg:s23], $0x2FFFF;
	_ =	strace $0x9FFFFFFF  }
0x48: {  	(tm) =	ssettm $0x7FFFFFFF  }
0x49: {  	_ =	shalt  }
tec
execute0_lowered:
.L_overlay_start_1:
0x0: {  	(tag) =	ssettag $0x1  }
0x1: {  	s0 =	stileid.u32;
	s1 =	srdreg.scid  }
0x2: {  	s4 =	rddreg [dreg:$0x0];
	s7 =	simm.s32 $0x1;
	s31 =	simm.s32 $0x2  }
0x3: {  	s16 =	simm.s32 $0x0;
	s2 =	sshll.u32 s0, $0x5;
	s1 =	sshll.u32 s1, $0x9  }
0x4: {  	s9 =	simm.s32 $0x4000;
	s14 =	simm.s32 $0x0;
	s1 =	sor.u32 s2, s1  }
0x5: {  	s15 =	simm.s32 $0x0;
	s10 =	simm.s32 $0x0;
	s2 =	sand.u32 $0x380, s1  }
0x6: {  	s13 =	simm.s32 $0x0;
	s3 =	sadd.s32 $0x400000, s4;
	s5 =	ssub.s32 $0x800, s2  }
0x7: {  	s4 =	sadd.s32 $0x600000, s4;
	s1 =	rddreg [dreg:$0x1];
	s6 =	sand.u32 $0x380, s5  }
.Ltmp0:
0x8: {  	_ =	strace $0x8000004A;
	p0 =	sne.s32 s6, $0x0;
	(pc) =	sbr.rel .LBB1_1-.Ltmp0, $4  }
0x9: {  	s11 =	smov.u32 s2;
	s8 =	sshrl.u32 s5, $0xA;
	s7 =	simm.s32 @!p0 $0x0  }
0xa: {  	s5 =	sand.u32 $0x3, s0;
	s6 =	simm.s32 $0x1;
	s7 =	sadd.s32 s7, s8  }
0xb: {  	s12 =	smov.u32 s5;
	[sflag:s6] =	ssyncpa.u1 $0x0;
	s7 =	sshll.u32 s7, $0x4  }
0xc: {  	p0 =	por $0x0, $0x0;
	[sflag:s31] =	ssyncpa.u1 $0x0;
	s8 =	sor.u32 $0x1, s7  }
.LBB1_4:
0xd: {  	v5 =	vld [tilespmem:s19+$0xFFFFFFD0]  }
0xe: {  	[tilespmem:s20+$0x2040 ss:$0x81] =	vst.msk $0xffff, v1;
	v58 =	vld [tilespmem:s19+$0xFFFFFFE0]  }
0xf: {  	[tilespmem:s20+$0x2850 ss:$0x81] =	vst.msk $0xffff, v2;
	v59 =	vld [tilespmem:s19+$0xFFFFFFF0]  }
0x10: {  	s21 =	sshra.s32 s21, $0x2;
	[tilespmem:s20+$0x3060 ss:$0x81] =	vst.msk $0xffff, v3;
	v60 =	vld [tilespmem:s19+$0x0]  }
0x11: {  	[tilespmem:s20+$0x0 ss:$0x81] =	vst.msk $0xffff, v0;
	v61 =	vld [tilespmem:s19+$0x10];
	s18 =	sadd.s32 s21, s18  }
0x12: {  	s26 =	sshll.u32 s16, $0xB;
	v62 =	vld [tilespmem:s19+$0x20];
	[tilespmem:s18+$0x3870 ss:$0x81] =	vst.msk $0xffff, v4  }
0x13: {  	s27 =	sand.u32 $0x78, s14;
	s22 =	sshll.u32 s14, $0x3;
	v63 =	vld [tilespmem:s19+$0xFFFFFFC0];
	s29 =	sshll.u32 s16, $0x7;
	[tilespmem:s18+$0x810 ss:$0x81] =	vst.msk $0xffff, v5  }
0x14: {  	s15 =	sshll.u32 s15, $0x13;
	s20 =	sand.u32 $0x3FC000, s26;
	s28 =	sand.u32 $0x3FFC00, s22;
	[tilespmem:s18+$0x1020 ss:$0x81] =	vst.msk $0xffff, v58  }
0x15: {  	s31 =	sand.u32 $0x7, s14;
	s22 =	sand.u32 $0x400, s22;
	s19 =	sadd.s32 s28, s20;
	[tilespmem:s18+$0x1830 ss:$0x81] =	vst.msk $0xffff, v59  }
0x16: {  	s16 =	sand.u32 $0x380, s29;
	s30 =	sor.u32 s27, s22;
	s19 =	sshrl.u32 s19, $0x3;
	[tilespmem:s18+$0x2040 ss:$0x81] =	vst.msk $0xffff, v60  }
0x17: {  	s15 =	sadd.s32 s4, s15;
	s16 =	sor.u32 s16, s30;
	s19 =	sand.u32 $0x7FF00, s19;
	[tilespmem:s18+$0x2850 ss:$0x81] =	vst.msk $0xffff, v61  }
0x18: {  	s14 =	sshll.u32 s31, $0x12;
	s16 =	sshrl.u32 s16, $0x3;
	[tilespmem:s18+$0x3060 ss:$0x81] =	vst.msk $0xffff, v62;
	s15 =	sadd.s32 s19, s15  }
0x19: {  	s14 =	sor.u32 $0x400, s14;
	[tilespmem:s18+$0x0 ss:$0x81] =	vst.msk $0xffff, v63;
	s15 =	sadd.s32 s16, s15  }
0x1a: {  	[hbm4b:s15+s14] =	stream.strided.scatter [tilespmem:s17], [sflag:$0x2], $0x4000, s9, s14, $0x20;
	[tilespmem:$0x10100] =	vst v63  }
.LBB1_5:
0x1b: {  	s17 =	sadd.s32 $0x80, s10  }
0x1c: {  	s14 =	sadd.s32 $0x400, s11;
	s18 =	smov.u32 s11;
	p2 =	sgt.s32 s17, $0x7FF  }
0x1d: {  	s18 =	smov.u32 @p2 s14  }
0x1e: {  	s20 =	smov.u32 s12;
	s14 =	sadd.s32 $0x4, s12;
	p3 =	sgt.s32 s18, $0x7FF  }
0x1f: {  	s20 =	smov.u32 @p3 s14  }
0x20: {  	s17 =	simm.s32 @p2 $0x0;
	p2 =	sgt.s32 s20, $0x3  }
0x21: {  	p1 =	slt.u32 s13, $0x2;
	s20 =	smov.u32 @p2 s5;
	p2 =	sne.s32 s13, s8  }
.Ltmp1:
0x22: {  	s19 =	simm.s32 @!p1 $0x2;
	(pc) =	sbr.rel @!p2 .LBB1_6-.Ltmp1, $4  }
0x23: {  	s16 =	smov.u32 s10;
	s15 =	smov.u32 s12;
	_ =	swait.ge @!p1 [sflag:s19], $0x4000  }
0x24: {  	p0 =	por !p0, !p0;
	[sflag:s19] =	ssyncset.done @!p1 $0x0;
	s10 =	smov.u32 s17  }
0x25: {  	s18 =	smov.u32 @p3 s2;
	s14 =	smov.u32 s11;
	[sflag:s19] =	ssyncadd.s32 @!p1 $0xFFFFC000  }
0x26: {  	s11 =	smov.u32 s18;
	s13 =	sadd.s32 $0x1, s13;
	s12 =	smov.u32 s20  }
.LBB1_1:
0x27: {  	p1 =	sge.u32 s13, s7;
	s31 =	sadd.s32 $0xFFFFFFFF, s13  }
0x28: {  	s17 =	sxor.u32 @!p1 $0xFFFFFFFF, s13;
	s18 =	sand.u32 @!p1 $0x78, s10;
	s19 =	sshll.u32 @!p1 s11, $0xB  }
0x29: {  	s20 =	sshll.u32 @!p1 s11, $0x7;
	s21 =	sshll.u32 @!p1 s10, $0x3;
	s17 =	sshll.u32 @!p1 s17, $0xE  }
0x2a: {  	s19 =	sand.u32 @!p1 $0x3FC000, s19;
	s20 =	sand.u32 @!p1 $0x380, s20;
	s17 =	sand.u32 @!p1 $0x4000, s17  }
0x2b: {  	s19 =	sadd.s32 @!p1 s19, s21;
	s21 =	sand.u32 @!p1 $0x400, s21;
	s18 =	sor.u32 @!p1 s20, s18  }
0x2c: {  	s20 =	sshll.u32 @!p1 s12, $0x13;
	s18 =	sor.u32 @!p1 s21, s18;
	s19 =	sshrl.u32 @!p1 s19, $0x3  }
0x2d: {  	s20 =	sadd.s32 @!p1 s3, s20;
	s21 =	sand.u32 @!p1 $0x7, s10;
	s19 =	sand.u32 @!p1 $0x7FF00, s19  }
0x2e: {  	s18 =	sshrl.u32 @!p1 s18, $0x3;
	s19 =	sadd.s32 @!p1 s19, s20;
	s20 =	sshll.u32 @!p1 s21, $0x12  }
0x2f: {  	s18 =	sadd.s32 @!p1 s18, s19;
	s19 =	sor.u32 @!p1 $0x400, s20;
	s20 =	simm.s32 @!p1 $0x4000  }
0x30: {  	[tilespmem:s17], [sflag:$0x1] =	stream.strided.gather @!p1 [hbm4b:s18+s19], $0x4000, s20, s19, $0x38;
	[tilespmem:$0x10100] =	vst v63  }
0x31: {  	p1 =	sge.u32 s31, s7  }
.Ltmp2:
0x32: {  	_ = 	snop;
	(pc) =	sbr.rel @p1 .LBB1_5-.Ltmp2, $1  }
0x33: {  	_ =	sdelay $0x3  }
0x34: {  	s17 =	simm.s32 $0x1  }
0x35: {  	_ =	swait.ge [sflag:s6], $0x4000;
	s17 =	simm.s32 @!p0 $0x0  }
0x36: {  	[sflag:s6] =	ssyncset.done $0x0;
	s18 =	sshll.u32 s17, $0xE  }
0x37: {  	[sflag:s6] =	ssyncadd.s32 $0xFFFFC000;
	s19 =	sor.u32 $0x40, s18  }
0x38: {  	s17 =	smul.u32 $0x10200, s17;
	v0 =	vld [tilespmem:s19+$0x30]  }
0x39: {  	v3 =	vld [tilespmem:s19+$0xFFFFFFD0]  }
0x3a: {  	s17 =	sshrl.u32 s17, $0x2;
	v4 =	vld [tilespmem:s19+$0xFFFFFFE0]  }
0x3b: {  	v5 =	vld [tilespmem:s19+$0xFFFFFFF0];
	s18 =	sor.u32 $0x8000, s17  }
0x3c: {  	s31 =	sand.u32 $0x1, s13;
	v1 =	vld [tilespmem:s19+$0x0];
	s20 =	sadd.s32 $0x0, s18  }
0x3d: {  	v2 =	vld [tilespmem:s19+$0x10];
	s17 =	smul.u32 $0x10200, s31;
	[tilespmem:s20+$0x3870 ss:$0x81] =	vst.msk $0xffff, v0  }
0x3e: {  	[tilespmem:s20+$0x810 ss:$0x81] =	vst.msk $0xffff, v3;
	v3 =	vld [tilespmem:s19+$0x20]  }
0x3f: {  	s17 =	sshrl.u32 s17, $0x2;
	v0 =	vld [tilespmem:s19+$0xFFFFFFC0];
	[tilespmem:s20+$0x1020 ss:$0x81] =	vst.msk $0xffff, v4;
	s19 =	sadd.s32 $0x80, s19  }
0x40: {  	s21 =	simm.s32 $0x4;
	s22 =	simm.s32 $0x8;
	s17 =	sor.u32 $0x8000, s17;
	[tilespmem:s20+$0x1830 ss:$0x81] =	vst.msk $0xffff, v5;
	v4 =	vld [tilespmem:s19+$0x30]  }
.LBB1_3:
0x41: {  	p1 =	sne.s32 s22, $0x1FC;
	v5 =	vld [tilespmem:s19+$0xFFFFFFD0];
	[tilespmem:s20+$0x2040 ss:$0x81] =	vst.msk $0xffff, v1  }
0x42: {  	v6 =	vld [tilespmem:s19+$0xFFFFFFE0];
	[tilespmem:s20+$0x2850 ss:$0x81] =	vst.msk $0xffff, v2  }
0x43: {  	s23 =	sshra.s32 s21, $0x2;
	s21 =	smov.u32 s22;
	v7 =	vld [tilespmem:s19+$0xFFFFFFF0];
	[tilespmem:s20+$0x3060 ss:$0x81] =	vst.msk $0xffff, v3  }
.Ltmp3:
0x44: {  	v1 =	vld [tilespmem:s19+$0x0];
	[tilespmem:s20+$0x0 ss:$0x81] =	vst.msk $0xffff, v0;
	s20 =	sadd.s32 s23, s18;
	(pc) =	sbr.rel @p1 .LBB1_3-.Ltmp3, $4  }
0x45: {  	v2 =	vld [tilespmem:s19+$0x10];
	[tilespmem:s20+$0x3870 ss:$0x81] =	vst.msk $0xffff, v4  }
0x46: {  	[tilespmem:s20+$0x810 ss:$0x81] =	vst.msk $0xffff, v5;
	v3 =	vld [tilespmem:s19+$0x20]  }
0x47: {  	v0 =	vld [tilespmem:s19+$0xFFFFFFC0];
	[tilespmem:s20+$0x1020 ss:$0x81] =	vst.msk $0xffff, v6;
	s19 =	sadd.s32 $0x80, s19  }
0x48: {  	s22 =	sadd.s32 $0x4, s22;
	v4 =	vld [tilespmem:s19+$0x30];
	[tilespmem:s20+$0x1830 ss:$0x81] =	vst.msk $0xffff, v7  }
.Ltmp4:
0x49: {  	_ = 	snop;
	(pc) =	sbr.rel .LBB1_4-.Ltmp4, $1  }
0x4a: {  	_ =	sdelay $0x3  }
.LBB1_6:
0x4b: {  	_ =	sfence.sel $0x180000  }
0x4c: {  	s2 =	simm.s32 $0x1;
	[bflag:$0x0] =	sbarrier.arrive $0xFFFF  }
0x4d: {  	s31 =	simm.s32 $0x2;
	[sflag:s2] =	ssyncpa.u1 $0x1  }
0x4e: {  	[sflag:s31] =	ssyncpa.u1 $0x1  }
0x4f: {  	p0 =	sne.s32 s0, $0x0;
	_ =	strace $0x9000004A  }
0x50: {  	s0 =	sadd.s32 @!p0 $0x100000, s1;
	[bflag:$0x2] =	sbarrier.arrive $0xFFFF  }
0x51: {  	[sflag:s0] =	ssyncadd.tile.s32 @!p0 $0x1;
	_ =	shalt  }
.Lfunc_end1:
_tile_overlayer_lowered:
.L_overlay_start_2:
0x52: {  	(tag) =	ssettag $0x2  }
0x53: {  	s0 =	rddreg [dreg:$0x0];
	s2 =	stileid.u32  }
0x54: {  	s1 =	rddreg [dreg:$0x1];
	p0 =	sne.s32 s2, $0x0  }
0x55: {  	s3 =	rddreg [dreg:$0x2];
	[bflag:$0x3] =	sbarrier.arrive $0xFFFF;
	s2 =	simm.s32 @!p0 $0x1C01  }
0x56: {  	[timem:s3], [sflag:s2] =	dma.local @!p0 [hbm:s0], s1  }
0x57: {  	s0 =	simm.s32 @!p0 $0x1  }
0x58: {  	_ =	swait.ge @!p0 [sflag:s0], s1  }
0x59: {  	s1 =	ssub.s32 @!p0 $0x0, s1;
	[sflag:s0] =	ssyncset.done @!p0 $0x0  }
0x5a: {  	[sflag:s0] =	ssyncadd.s32 @!p0 s1  }
0x5b: {  	[bflag:$0x3] =	sbarrier.arrive $0xFFFF  }
0x5c: {  	_ =	shalt  }

// kernel: sparse-core-data-format-call.cloned.1.call-start
scs
called_computation_lowered:
.L_overlay_start_0:
0x0: {  	s1 =	sld [smem:$0x3FD9]  }
0x1: {  	s2 =	sld [smem:$0x3FFE];
	_ =	sdelay $0x1  }
0x2: {  	s3 =	srdreg.scid  }
0x3: {  	s0 =	sand.u32 $0x1, s3  }
0x4: {  	s17 =	sshll.u32 s0, $0xA;
	s1 =	sadd.s32 s2, s1  }
0x5: {  	s1 =	sadd.s32 s1, s17  }
0x6: {  	[smem:$0x3FB4] =	sst s1  }
0x7: {  	_ = 	snop  }
0x8: {  	(tm) =	ssettm $0x1  }
0x9: {  	s18 =	sld [smem:$0x3FFB];
	_ =	sdelay $0x3  }
0xa: {  	_ =	strace s18  }
0xb: {  	s1 =	sld [smem:$0x3FFC];
	_ =	sdelay $0x3  }
0xc: {  	_ =	strace s1  }
0xd: {  	s1 =	sld [smem:$0x3FFD];
	_ =	sdelay $0x3  }
0xe: {  	_ =	strace s1  }
0xf: {  	_ =	strace $0x8FFFFFFF  }
0x10: {  	s19 =	sld [smem:$0x3FDB];
	_ =	sdelay $0x1  }
0x11: {  	s20 =	simm.s32 $_scs_section_size  }
0x12: {  	s4 =	simm.s32 $_size__tile_overlayer_lowered;
	s5 =	simm.s32 $_tile_overlayer_lowered  }
0x13: {  	s23 =	simm.s32 $0x1BFF;
	s22 =	sshll.u32 s5, $0x1;
	s1 =	sadd.s32 s20, s19  }
0x14: {  	s6 =	simm.s32 $0x0;
	s21 =	sshll.u32 s4, $0x1;
	s4 =	sadd.s32 s22, s1  }
0x15: {  	[timem:s6], [sflag:s23] =	dma.local [hbm:s4], s21  }
0x16: {  	_ =	swait.ge [sflag:s23], s21  }
0x17: {  	s2 =	ssub.s32 $0x0, s21;
	[sflag:s23] =	ssyncset.done $0x0  }
0x18: {  	[sflag:s23] =	ssyncadd.s32 s2;
	_ =	sdelay $0x1  }
0x19: {  	s24 =	simm.s32 $0x1B8B  }
0x1a: {  	_ =	swait.ge [sflag:s24], $0x1  }
0x1b: {  	[sflag:s24] =	ssyncset.done $0x0  }
0x1c: {  	s26 =	simm.s32 $0x1B8E;
	s25 =	sld [smem:$0x3FFE];
	[sflag:s24] =	ssyncadd.s32 $0xFFFFFFFF  }
0x1d: {  	s27 =	simm.s32 $execute0_lowered;
	[smem:$0x3FD2] =	sst s26  }
0x1e: {  	s4 =	sshll.u32 s27, $0x1;
	_ =	strace $0x80000052;
	[dreg:$0x1] =	wrdreg $0xFFFFFFFF  }
0x1f: {  	s28 =	simm.s32 $_size_execute0_lowered;
	s1 =	sadd.s32 s1, s4;
	[dreg:$0x0] =	wrdreg $0x0  }
0x20: {  	s4 =	sshll.u32 s28, $0x1;
	[dreg:$0x2] =	wrdreg s1  }
0x21: {  	[dreg:$0x3] =	wrdreg s4  }
0x22: {  	[dreg:$0x4] =	wrdreg $0xC0  }
0x23: {  	_ =	task [dreg:s6], $0x5FFFF  }
0x24: {  	[dreg:$0x1] =	wrdreg $0xFFFFFFFF  }
0x25: {  	[dreg:$0x0] =	wrdreg $0x60  }
0x26: {  	[dreg:$0x2] =	wrdreg s25  }
0x27: {  	[dreg:$0x3] =	wrdreg $0x9  }
0x28: {  	_ =	task.clear_ibuf [dreg:s6], $0x4FFFF;
	_ =	strace $0x90000052  }
0x29: {  	s29 =	simm.s32 $0x9;
	_ =	strace $0x80000054  }
0x2a: {  	_ =	swait.ge [sflag:s29], $0x1  }
0x2b: {  	[sflag:s29] =	ssyncadd.s32 $0xFFFFFFFF  }
0x2c: {  	_ =	strace $0x90000054  }
0x2d: {  	_ =	sfence  }
0x2e: {  	s30 =	sld [smem:$0x0];
	_ =	sdelay $0x2  }
0x2f: {  	s31 =	sshll.u32 s3, $0xD;
	s3 =	sshrl.u32 s3, $0x2  }
0x30: {  	s2 =	sand.u32 $0x4000, s31;
	s1 =	sadd.s32 s3, s30  }
0x31: {  	s0 =	sor.u32 s2, s0;
	s1 =	sshll.u32 s1, $0x11  }
0x32: {  	s0 =	sor.u32 s1, s0  }
0x33: {  	s0 =	sadd.s32 $0x8F2B, s0  }
0x34: {  	[sflag:s0] =	ssyncadd.remote.s32 $0x1  }
0x35: {  	_ =	sfence.sel $0xFFFF  }
0x36: {  	[dreg:$0x0] =	wrdreg $0xFFFFFFFF;
	(pc) =	sbr.abs _section_cstart, $3  }
0x37: {  	[dreg:$0x1] =	wrdreg $0xFFFFFFFF  }
0x38: {  	_ =	task.clear_ibuf [dreg:s6], $0x2FFFF;
	_ =	strace $0x9FFFFFFF  }
0x39: {  	(tm) =	ssettm $0x7FFFFFFF  }
tec
execute0_lowered:
.L_overlay_start_1:
0x0: {  	(tag) =	ssettag $0x1  }
0x1: {  	s0 =	stileid.u32;
	s1 =	srdreg.scid  }
0x2: {  	s4 =	rddreg [dreg:$0x0];
	s7 =	simm.s32 $0x1;
	s31 =	simm.s32 $0x2  }
0x3: {  	s16 =	simm.s32 $0x0;
	s2 =	sshll.u32 s0, $0x5;
	s1 =	sshll.u32 s1, $0x9  }
0x4: {  	s9 =	simm.s32 $0x4000;
	s14 =	simm.s32 $0x0;
	s1 =	sor.u32 s2, s1  }
0x5: {  	s15 =	simm.s32 $0x0;
	s10 =	simm.s32 $0x0;
	s2 =	sand.u32 $0x380, s1  }
0x6: {  	s13 =	simm.s32 $0x0;
	s3 =	sadd.s32 $0x240000, s4;
	s5 =	ssub.s32 $0x800, s2  }
0x7: {  	s4 =	sadd.s32 $0x440000, s4;
	s1 =	rddreg [dreg:$0x1];
	s6 =	sand.u32 $0x380, s5  }
.Ltmp0:
0x8: {  	_ =	strace $0x80000053;
	p0 =	sne.s32 s6, $0x0;
	(pc) =	sbr.rel .LBB1_1-.Ltmp0, $4  }
0x9: {  	s11 =	smov.u32 s2;
	s8 =	sshrl.u32 s5, $0xA;
	s7 =	simm.s32 @!p0 $0x0  }
0xa: {  	s5 =	sand.u32 $0x3, s0;
	s6 =	simm.s32 $0x1;
	s7 =	sadd.s32 s7, s8  }
0xb: {  	s12 =	smov.u32 s5;
	[sflag:s6] =	ssyncpa.u1 $0x0;
	s7 =	sshll.u32 s7, $0x4  }
0xc: {  	p0 =	por $0x0, $0x0;
	[sflag:s31] =	ssyncpa.u1 $0x0;
	s8 =	sor.u32 $0x1, s7  }
.LBB1_4:
0xd: {  	v5 =	vld [tilespmem:s19+$0xFFFFFFD0]  }
0xe: {  	[tilespmem:s20+$0x2040 ss:$0x81] =	vst.msk $0xffff, v1;
	v58 =	vld [tilespmem:s19+$0xFFFFFFE0]  }
0xf: {  	[tilespmem:s20+$0x2850 ss:$0x81] =	vst.msk $0xffff, v2;
	v59 =	vld [tilespmem:s19+$0xFFFFFFF0]  }
0x10: {  	s21 =	sshra.s32 s21, $0x2;
	[tilespmem:s20+$0x3060 ss:$0x81] =	vst.msk $0xffff, v3;
	v60 =	vld [tilespmem:s19+$0x0]  }
0x11: {  	[tilespmem:s20+$0x0 ss:$0x81] =	vst.msk $0xffff, v0;
	v61 =	vld [tilespmem:s19+$0x10];
	s18 =	sadd.s32 s21, s18  }
0x12: {  	s26 =	sshll.u32 s16, $0xB;
	v62 =	vld [tilespmem:s19+$0x20];
	[tilespmem:s18+$0x3870 ss:$0x81] =	vst.msk $0xffff, v4  }
0x13: {  	s27 =	sand.u32 $0x78, s14;
	s22 =	sshll.u32 s14, $0x3;
	v63 =	vld [tilespmem:s19+$0xFFFFFFC0];
	s29 =	sshll.u32 s16, $0x7;
	[tilespmem:s18+$0x810 ss:$0x81] =	vst.msk $0xffff, v5  }
0x14: {  	s15 =	sshll.u32 s15, $0x13;
	s20 =	sand.u32 $0x3FC000, s26;
	s28 =	sand.u32 $0x3FFC00, s22;
	[tilespmem:s18+$0x1020 ss:$0x81] =	vst.msk $0xffff, v58  }
0x15: {  	s31 =	sand.u32 $0x7, s14;
	s22 =	sand.u32 $0x400, s22;
	s19 =	sadd.s32 s28, s20;
	[tilespmem:s18+$0x1830 ss:$0x81] =	vst.msk $0xffff, v59  }
0x16: {  	s16 =	sand.u32 $0x380, s29;
	s30 =	sor.u32 s27, s22;
	s19 =	sshrl.u32 s19, $0x3;
	[tilespmem:s18+$0x2040 ss:$0x81] =	vst.msk $0xffff, v60  }
0x17: {  	s15 =	sadd.s32 s4, s15;
	s16 =	sor.u32 s16, s30;
	s19 =	sand.u32 $0x7FF00, s19;
	[tilespmem:s18+$0x2850 ss:$0x81] =	vst.msk $0xffff, v61  }
0x18: {  	s14 =	sshll.u32 s31, $0x12;
	s16 =	sshrl.u32 s16, $0x3;
	[tilespmem:s18+$0x3060 ss:$0x81] =	vst.msk $0xffff, v62;
	s15 =	sadd.s32 s19, s15  }
0x19: {  	s14 =	sor.u32 $0x400, s14;
	[tilespmem:s18+$0x0 ss:$0x81] =	vst.msk $0xffff, v63;
	s15 =	sadd.s32 s16, s15  }
0x1a: {  	[hbm4b:s15+s14] =	stream.strided.scatter [tilespmem:s17], [sflag:$0x2], $0x4000, s9, s14, $0x20;
	[tilespmem:$0x10100] =	vst v63  }
.LBB1_5:
0x1b: {  	s17 =	sadd.s32 $0x80, s10  }
0x1c: {  	s14 =	sadd.s32 $0x400, s11;
	s18 =	smov.u32 s11;
	p2 =	sgt.s32 s17, $0x7FF  }
0x1d: {  	s18 =	smov.u32 @p2 s14  }
0x1e: {  	s20 =	smov.u32 s12;
	s14 =	sadd.s32 $0x4, s12;
	p3 =	sgt.s32 s18, $0x7FF  }
0x1f: {  	s20 =	smov.u32 @p3 s14  }
0x20: {  	s17 =	simm.s32 @p2 $0x0;
	p2 =	sgt.s32 s20, $0x3  }
0x21: {  	p1 =	slt.u32 s13, $0x2;
	s20 =	smov.u32 @p2 s5;
	p2 =	sne.s32 s13, s8  }
.Ltmp1:
0x22: {  	s19 =	simm.s32 @!p1 $0x2;
	(pc) =	sbr.rel @!p2 .LBB1_6-.Ltmp1, $4  }
0x23: {  	s16 =	smov.u32 s10;
	s15 =	smov.u32 s12;
	_ =	swait.ge @!p1 [sflag:s19], $0x4000  }
0x24: {  	p0 =	por !p0, !p0;
	[sflag:s19] =	ssyncset.done @!p1 $0x0;
	s10 =	smov.u32 s17  }
0x25: {  	s18 =	smov.u32 @p3 s2;
	s14 =	smov.u32 s11;
	[sflag:s19] =	ssyncadd.s32 @!p1 $0xFFFFC000  }
0x26: {  	s11 =	smov.u32 s18;
	s13 =	sadd.s32 $0x1, s13;
	s12 =	smov.u32 s20  }
.LBB1_1:
0x27: {  	p1 =	sge.u32 s13, s7;
	s31 =	sadd.s32 $0xFFFFFFFF, s13  }
0x28: {  	s17 =	sxor.u32 @!p1 $0xFFFFFFFF, s13;
	s18 =	sand.u32 @!p1 $0x78, s10;
	s19 =	sshll.u32 @!p1 s11, $0xB  }
0x29: {  	s20 =	sshll.u32 @!p1 s11, $0x7;
	s21 =	sshll.u32 @!p1 s10, $0x3;
	s17 =	sshll.u32 @!p1 s17, $0xE  }
0x2a: {  	s19 =	sand.u32 @!p1 $0x3FC000, s19;
	s20 =	sand.u32 @!p1 $0x380, s20;
	s17 =	sand.u32 @!p1 $0x4000, s17  }
0x2b: {  	s19 =	sadd.s32 @!p1 s19, s21;
	s21 =	sand.u32 @!p1 $0x400, s21;
	s18 =	sor.u32 @!p1 s20, s18  }
0x2c: {  	s20 =	sshll.u32 @!p1 s12, $0x13;
	s18 =	sor.u32 @!p1 s21, s18;
	s19 =	sshrl.u32 @!p1 s19, $0x3  }
0x2d: {  	s20 =	sadd.s32 @!p1 s3, s20;
	s21 =	sand.u32 @!p1 $0x7, s10;
	s19 =	sand.u32 @!p1 $0x7FF00, s19  }
0x2e: {  	s18 =	sshrl.u32 @!p1 s18, $0x3;
	s19 =	sadd.s32 @!p1 s19, s20;
	s20 =	sshll.u32 @!p1 s21, $0x12  }
0x2f: {  	s18 =	sadd.s32 @!p1 s18, s19;
	s19 =	sor.u32 @!p1 $0x400, s20;
	s20 =	simm.s32 @!p1 $0x4000  }
0x30: {  	[tilespmem:s17], [sflag:$0x1] =	stream.strided.gather @!p1 [hbm4b:s18+s19], $0x4000, s20, s19, $0x38;
	[tilespmem:$0x10100] =	vst v63  }
0x31: {  	p1 =	sge.u32 s31, s7  }
.Ltmp2:
0x32: {  	_ = 	snop;
	(pc) =	sbr.rel @p1 .LBB1_5-.Ltmp2, $1  }
0x33: {  	_ =	sdelay $0x3  }
0x34: {  	s17 =	simm.s32 $0x1  }
0x35: {  	_ =	swait.ge [sflag:s6], $0x4000;
	s17 =	simm.s32 @!p0 $0x0  }
0x36: {  	[sflag:s6] =	ssyncset.done $0x0;
	s18 =	sshll.u32 s17, $0xE  }
0x37: {  	[sflag:s6] =	ssyncadd.s32 $0xFFFFC000;
	s19 =	sor.u32 $0x40, s18  }
0x38: {  	s17 =	smul.u32 $0x10200, s17;
	v0 =	vld [tilespmem:s19+$0x30]  }
0x39: {  	v3 =	vld [tilespmem:s19+$0xFFFFFFD0]  }
0x3a: {  	s17 =	sshrl.u32 s17, $0x2;
	v4 =	vld [tilespmem:s19+$0xFFFFFFE0]  }
0x3b: {  	v5 =	vld [tilespmem:s19+$0xFFFFFFF0];
	s18 =	sor.u32 $0x8000, s17  }
0x3c: {  	s31 =	sand.u32 $0x1, s13;
	v1 =	vld [tilespmem:s19+$0x0];
	s20 =	sadd.s32 $0x0, s18  }
0x3d: {  	v2 =	vld [tilespmem:s19+$0x10];
	s17 =	smul.u32 $0x10200, s31;
	[tilespmem:s20+$0x3870 ss:$0x81] =	vst.msk $0xffff, v0  }
0x3e: {  	[tilespmem:s20+$0x810 ss:$0x81] =	vst.msk $0xffff, v3;
	v3 =	vld [tilespmem:s19+$0x20]  }
0x3f: {  	s17 =	sshrl.u32 s17, $0x2;
	v0 =	vld [tilespmem:s19+$0xFFFFFFC0];
	[tilespmem:s20+$0x1020 ss:$0x81] =	vst.msk $0xffff, v4;
	s19 =	sadd.s32 $0x80, s19  }
0x40: {  	s21 =	simm.s32 $0x4;
	s22 =	simm.s32 $0x8;
	s17 =	sor.u32 $0x8000, s17;
	[tilespmem:s20+$0x1830 ss:$0x81] =	vst.msk $0xffff, v5;
	v4 =	vld [tilespmem:s19+$0x30]  }
.LBB1_3:
0x41: {  	p1 =	sne.s32 s22, $0x1FC;
	v5 =	vld [tilespmem:s19+$0xFFFFFFD0];
	[tilespmem:s20+$0x2040 ss:$0x81] =	vst.msk $0xffff, v1  }
0x42: {  	v6 =	vld [tilespmem:s19+$0xFFFFFFE0];
	[tilespmem:s20+$0x2850 ss:$0x81] =	vst.msk $0xffff, v2  }
0x43: {  	s23 =	sshra.s32 s21, $0x2;
	s21 =	smov.u32 s22;
	v7 =	vld [tilespmem:s19+$0xFFFFFFF0];
	[tilespmem:s20+$0x3060 ss:$0x81] =	vst.msk $0xffff, v3  }
.Ltmp3:
0x44: {  	v1 =	vld [tilespmem:s19+$0x0];
	[tilespmem:s20+$0x0 ss:$0x81] =	vst.msk $0xffff, v0;
	s20 =	sadd.s32 s23, s18;
	(pc) =	sbr.rel @p1 .LBB1_3-.Ltmp3, $4  }
0x45: {  	v2 =	vld [tilespmem:s19+$0x10];
	[tilespmem:s20+$0x3870 ss:$0x81] =	vst.msk $0xffff, v4  }
0x46: {  	[tilespmem:s20+$0x810 ss:$0x81] =	vst.msk $0xffff, v5;
	v3 =	vld [tilespmem:s19+$0x20]  }
0x47: {  	v0 =	vld [tilespmem:s19+$0xFFFFFFC0];
	[tilespmem:s20+$0x1020 ss:$0x81] =	vst.msk $0xffff, v6;
	s19 =	sadd.s32 $0x80, s19  }
0x48: {  	s22 =	sadd.s32 $0x4, s22;
	v4 =	vld [tilespmem:s19+$0x30];
	[tilespmem:s20+$0x1830 ss:$0x81] =	vst.msk $0xffff, v7  }
.Ltmp4:
0x49: {  	_ = 	snop;
	(pc) =	sbr.rel .LBB1_4-.Ltmp4, $1  }
0x4a: {  	_ =	sdelay $0x3  }
.LBB1_6:
0x4b: {  	_ =	sfence.sel $0x180000  }
0x4c: {  	s2 =	simm.s32 $0x1;
	[bflag:$0x0] =	sbarrier.arrive $0xFFFF  }
0x4d: {  	s31 =	simm.s32 $0x2;
	[sflag:s2] =	ssyncpa.u1 $0x1  }
0x4e: {  	[sflag:s31] =	ssyncpa.u1 $0x1  }
0x4f: {  	p0 =	sne.s32 s0, $0x0;
	_ =	strace $0x90000053  }
0x50: {  	s0 =	sadd.s32 @!p0 $0x100000, s1;
	[bflag:$0x2] =	sbarrier.arrive $0xFFFF  }
0x51: {  	[sflag:s0] =	ssyncadd.tile.s32 @!p0 $0x1;
	_ =	shalt  }
.Lfunc_end1:
_tile_overlayer_lowered:
.L_overlay_start_2:
0x52: {  	(tag) =	ssettag $0x2  }
0x53: {  	s0 =	rddreg [dreg:$0x0];
	s2 =	stileid.u32  }
0x54: {  	s1 =	rddreg [dreg:$0x1];
	p0 =	sne.s32 s2, $0x0  }
0x55: {  	s3 =	rddreg [dreg:$0x2];
	[bflag:$0x3] =	sbarrier.arrive $0xFFFF;
	s2 =	simm.s32 @!p0 $0x1C01  }
0x56: {  	[timem:s3], [sflag:s2] =	dma.local @!p0 [hbm:s0], s1  }
0x57: {  	s0 =	simm.s32 @!p0 $0x1  }
0x58: {  	_ =	swait.ge @!p0 [sflag:s0], s1  }
0x59: {  	s1 =	ssub.s32 @!p0 $0x0, s1;
	[sflag:s0] =	ssyncset.done @!p0 $0x0  }
0x5a: {  	[sflag:s0] =	ssyncadd.s32 @!p0 s1  }
0x5b: {  	[bflag:$0x3] =	sbarrier.arrive $0xFFFF  }
0x5c: {  	_ =	shalt  }

</sc_bundles>
